<compile_context>
chip_gen: v7x
topology: tpu7x:2x2x1
jax: 0.10.2.dev20260603
libtpu: 0.0.44.dev20260713+nightly
codegen_flags: <defaults>
</compile_context>

<pallas_src>
import functools

import jax
import jax.numpy as jnp
from jax import lax
from jax.experimental import pallas as pl
from jax.experimental.pallas import tpu as pltpu
from jax.experimental.pallas import tpu_sc as plsc

H = 1024
EPS = 1e-12

_NC = 2
_NS = 16
_NW = _NC * _NS

_CH = 32
_BLK = 512
_SLABS = ((0, 1), (1, 3))


def _sc_gather_slab(table, flat_ids, S, s_slab, lo, slab_rows):
    b_per_w = slab_rows // _NW
    ch = min(_CH, b_per_w)
    n_ch = b_per_w // ch
    mesh = plsc.VectorSubcoreMesh(core_axis_name="c", subcore_axis_name="s")

    scratch = [pltpu.VMEM((b_per_w,), jnp.int32),
               pltpu.VMEM((ch, H), jnp.float32)]
    if n_ch > 1:
        scratch.append(pltpu.VMEM((ch, H), jnp.float32))
    scratch += [pltpu.SemaphoreType.DMA] * (2 if n_ch == 1 else 4)

    @functools.partial(
        pl.kernel,
        mesh=mesh,
        out_type=jax.ShapeDtypeStruct((slab_rows, H), jnp.float32),
        scratch_types=scratch,
    )
    def gather_kernel(table_hbm, idx_hbm, out_hbm, idx_v, *bufs):
        if n_ch == 1:
            r0, gs0, ws0 = bufs
            row_b, gsem, wsem = (r0,), (gs0,), (ws0,)
        else:
            r0, r1, gs0, gs1, ws0, ws1 = bufs
            row_b, gsem, wsem = (r0, r1), (gs0, gs1), (ws0, ws1)

        wid = lax.axis_index("s") * _NC + lax.axis_index("c")
        r_base = wid * b_per_w
        b = r_base // s_slab
        flat_base = b * S + lo + (r_base % s_slab)
        pltpu.sync_copy(idx_hbm.at[pl.ds(flat_base, b_per_w)], idx_v)

        gathers = [None] * n_ch
        writes = [None] * n_ch
        for c in range(n_ch):
            bb = c % 2
            if c >= 2:
                writes[c - 2].wait()
            gathers[c] = pltpu.async_copy(
                table_hbm.at[idx_v.at[pl.ds(c * ch, ch)]], row_b[bb],
                gsem[bb])
            if c >= 1:
                pb = (c - 1) % 2
                gathers[c - 1].wait()
                writes[c - 1] = pltpu.async_copy(
                    row_b[pb], out_hbm.at[pl.ds(r_base + (c - 1) * ch, ch)],
                    wsem[pb])
        gathers[n_ch - 1].wait()
        writes[n_ch - 1] = pltpu.async_copy(
            row_b[(n_ch - 1) % 2],
            out_hbm.at[pl.ds(r_base + (n_ch - 1) * ch, ch)],
            wsem[(n_ch - 1) % 2])
        if n_ch >= 2:
            writes[n_ch - 2].wait()
        writes[n_ch - 1].wait()

    return gather_kernel(table, flat_ids)


def _ln_math(x_ref, tt_ref, pos_ref, ttab_ref, gamma_ref, beta_ref, o_ref):
    t0 = ttab_ref[0:1, :]
    td = ttab_ref[1:2, :] - t0
    t = tt_ref[:, 0:1]
    x = x_ref[...] + pos_ref[...] + t0 + t * td
    mean = jnp.mean(x, axis=1, keepdims=True)
    xc = x - mean
    var = jnp.mean(xc * xc, axis=1, keepdims=True)
    xn = xc * lax.rsqrt(var + EPS)
    o_ref[...] = xn * gamma_ref[...] + beta_ref[...]


def _ln_body_first(x_ref, tt_ref, pos_ref, ttab_ref, gamma_ref, beta_ref,
                   o_ref):
    _ln_math(x_ref, tt_ref, pos_ref, ttab_ref, gamma_ref, beta_ref, o_ref)


def _ln_body_acc(x_ref, tt_ref, pos_ref, ttab_ref, gamma_ref, beta_ref,
                 acc_ref, o_ref):
    del acc_ref
    _ln_math(x_ref, tt_ref, pos_ref, ttab_ref, gamma_ref, beta_ref, o_ref)


def _tc_ln_slab(base_blk, n_rows, B, s_slab_blocks, s_blocks, g, tt_all, pos,
                ttab, gamma2, beta2, acc):
    in_specs = [
        pl.BlockSpec((_BLK, H), lambda i, j: (j * s_slab_blocks + i, 0)),
        pl.BlockSpec((_BLK, 1), lambda i, j: (j * s_blocks + base_blk + i, 0)),
        pl.BlockSpec((_BLK, H), lambda i, j: (base_blk + i, 0)),
        pl.BlockSpec((2, H), lambda i, j: (0, 0)),
        pl.BlockSpec((1, H), lambda i, j: (0, 0)),
        pl.BlockSpec((1, H), lambda i, j: (0, 0)),
    ]
    out_spec = pl.BlockSpec(
        (_BLK, H), lambda i, j: (j * s_blocks + base_blk + i, 0))
    cp = pltpu.CompilerParams(dimension_semantics=("arbitrary", "arbitrary"))
    args = (g, tt_all, pos, ttab, gamma2, beta2)
    if acc is None:
        return pl.pallas_call(
            _ln_body_first,
            grid=(s_slab_blocks, B),
            in_specs=in_specs,
            out_specs=out_spec,
            out_shape=jax.ShapeDtypeStruct((n_rows, H), jnp.float32),
            compiler_params=cp,
        )(*args)
    return pl.pallas_call(
        _ln_body_acc,
        grid=(s_slab_blocks, B),
        in_specs=in_specs + [pl.BlockSpec(memory_space=pl.ANY)],
        out_specs=out_spec,
        out_shape=jax.ShapeDtypeStruct((n_rows, H), jnp.float32),
        input_output_aliases={6: 0},
        compiler_params=cp,
    )(*args, acc)


def kernel(input_ids, position_ids, token_type_ids, word_embeddings,
           position_embeddings, token_type_embeddings, ln_gamma, ln_beta):
    B, S = input_ids.shape
    n_rows = B * S
    s_blocks = S // _BLK

    flat_ids = input_ids.reshape(n_rows).astype(jnp.int32)
    tt_all = token_type_ids.reshape(n_rows, 1).astype(jnp.float32)
    pos = position_embeddings[:S]
    gamma2 = ln_gamma.reshape(1, H)
    beta2 = ln_beta.reshape(1, H)

    gs = []
    for off, size in _SLABS:
        s_slab = size * _BLK
        gs.append(_sc_gather_slab(word_embeddings, flat_ids, S, s_slab,
                                  off * _BLK, B * s_slab))

    acc = None
    for k, (off, size) in enumerate(_SLABS):
        acc = _tc_ln_slab(off, n_rows, B, size, s_blocks, gs[k], tt_all, pos,
                          token_type_embeddings, gamma2, beta2, acc)

    return acc.reshape(B, S, H)

# --- scband reference (transcript-rebuilt; emitter-appended) ---
"""Pipeline reference for scband-tfbert-embeddings-86784109183511 (READ-ONLY COPY).

The authoritative reference and input builder live on the scoring server;
editing this copy changes nothing except your own understanding.
"""

import jax, jax.numpy as jnp
import numpy as np

VOCAB = 30522
HIDDEN = 1024
MAX_POS = 2048
TYPE_VOCAB = 2
B, S = 4, 2048
EPS = 1e-12


def setup_inputs(seed: int = 0) -> dict:
    key = jax.random.key(seed)
    k1, k2, k3, k4 = jax.random.split(key, 4)
    input_ids = jax.random.randint(k1, (B, S), 0, VOCAB, dtype=jnp.int64 if jax.config.read('jax_enable_x64') else jnp.int32)
    position_ids = jnp.arange(S, dtype=input_ids.dtype)[None, :]
    token_type_ids = jax.random.randint(k2, (B, S), 0, TYPE_VOCAB, dtype=input_ids.dtype)
    word_embeddings = jax.random.normal(k3, (VOCAB, HIDDEN), dtype=jnp.float32) * 0.02
    k5, k6 = jax.random.split(k4)
    position_embeddings = jax.random.normal(k5, (MAX_POS, HIDDEN), dtype=jnp.float32) * 0.02
    token_type_embeddings = jax.random.normal(k6, (TYPE_VOCAB, HIDDEN), dtype=jnp.float32) * 0.02
    ln_gamma = jnp.ones((HIDDEN,), dtype=jnp.float32)
    ln_beta = jnp.zeros((HIDDEN,), dtype=jnp.float32)
    return {
        'input_ids': input_ids,
        'position_ids': position_ids,
        'token_type_ids': token_type_ids,
        'word_embeddings': word_embeddings,
        'position_embeddings': position_embeddings,
        'token_type_embeddings': token_type_embeddings,
        'ln_gamma': ln_gamma,
        'ln_beta': ln_beta,
    }


def _layer_norm(x, gamma, beta, eps):
    mean = jnp.mean(x, axis=-1, keepdims=True)
    var = jnp.mean(jnp.square(x - mean), axis=-1, keepdims=True)
    x_norm = (x - mean) / jnp.sqrt(var + eps)
    return x_norm * gamma + beta


def reference(input_ids, position_ids, token_type_ids, word_embeddings,
              position_embeddings, token_type_embeddings, ln_gamma, ln_beta):
    # word embedding lookup (gather)
    words = jnp.take(word_embeddings, input_ids, axis=0)              # [B, S, H]
    pos = jnp.take(position_embeddings, position_ids, axis=0)        # [1, S, H]
    types = jnp.take(token_type_embeddings, token_type_ids, axis=0)  # [B, S, H]
    embeddings = words + pos + types
    embeddings = _layer_norm(embeddings, ln_gamma, ln_beta, EPS)
    # dropout is identity in inference (training=False)
    return embeddings


if False:  # reference __main__ guard neutralized (emitter)
    out = reference(**setup_inputs())
    print(out.shape, out.dtype)

if __name__ == "__main__":
    import jax
    _d = setup_inputs()
    print(jax.jit(kernel)(*tuple(_d.values())))

</pallas_src>

<mosaic_0001>
#map = affine_map<(d0, d1) -> (0, 0)>
#map1 = affine_map<(d0, d1) -> (0)>
module attributes {stable_mosaic.version = 14 : i64} {
  func.func @gather_kernel(%arg0: i32, %arg1: i32, %arg2: memref<30522x1024xf32, #tpu.memory_space<hbm>>, %arg3: memref<8192xi32, #tpu.memory_space<hbm>>, %arg4: memref<2048x1024xf32, #tpu.memory_space<hbm>>, %arg5: memref<64xi32, #tpu.memory_space<vmem>>, %arg6: memref<32x1024xf32, #tpu.memory_space<vmem>>, %arg7: memref<32x1024xf32, #tpu.memory_space<vmem>>, %arg8: memref<!tpu.dma_semaphore, #tpu.memory_space<semaphore_mem>>, %arg9: memref<!tpu.dma_semaphore, #tpu.memory_space<semaphore_mem>>, %arg10: memref<!tpu.dma_semaphore, #tpu.memory_space<semaphore_mem>>, %arg11: memref<!tpu.dma_semaphore, #tpu.memory_space<semaphore_mem>>) attributes {dimension_semantics = [#tpu.dimension_semantics<core_parallel>, #tpu.dimension_semantics<subcore_parallel>], iteration_bounds = array<i64: 2, 16>, scalar_prefetch = 0 : i64, scratch_operands = 7 : i64, tpu.core_type = #tpu.core_type<sc_vector_subcore>, window_params = [{transform_indices = #map}, {transform_indices = #map1}, {transform_indices = #map}]} {
    %mul3A = arith.constant 2 : i32
    %mul3A_0 = arith.muli %arg1, %mul3A : i32
    %add3A = arith.addi %mul3A_0, %arg0 : i32
    %mul3A_1 = arith.constant 64 : i32
    %mul3A_2 = arith.muli %add3A, %mul3A_1 : i32
    %jit3A = arith.constant 512 : i32
    %div3A = arith.divsi %mul3A_2, %jit3A : i32
    %sign3A = arith.constant 0 : i32
    %sign3A_3 = arith.cmpi sgt, %mul3A_2, %sign3A : i32
    %sign3A_4 = arith.extui %sign3A_3 : i1 to i32
    %sign3A_5 = arith.constant 0 : i32
    %sign3A_6 = arith.cmpi slt, %mul3A_2, %sign3A_5 : i32
    %sign3A_7 = arith.extui %sign3A_6 : i1 to i32
    %sign3A_8 = arith.subi %sign3A_4, %sign3A_7 : i32
    %sign3A_9 = arith.constant 0 : i32
    %sign3A_10 = arith.cmpi sgt, %jit3A, %sign3A_9 : i32
    %sign3A_11 = arith.extui %sign3A_10 : i1 to i32
    %sign3A_12 = arith.constant 0 : i32
    %sign3A_13 = arith.cmpi slt, %jit3A, %sign3A_12 : i32
    %sign3A_14 = arith.extui %sign3A_13 : i1 to i32
    %sign3A_15 = arith.subi %sign3A_11, %sign3A_14 : i32
    %ne3A = arith.cmpi ne, %sign3A_8, %sign3A_15 : i32
    %rem3A = arith.remsi %mul3A_2, %jit3A : i32
    %ne3A_16 = arith.constant 0 : i32
    %ne3A_17 = arith.cmpi ne, %rem3A, %ne3A_16 : i32
    %and3A = arith.andi %ne3A, %ne3A_17 : i1
    %sub3A = arith.constant 1 : i32
    %sub3A_18 = arith.subi %div3A, %sub3A : i32
    %select_n3A = arith.select %and3A, %sub3A_18, %div3A : i32
    %mul3A_19 = arith.constant 2048 : i32
    %mul3A_20 = arith.muli %select_n3A, %mul3A_19 : i32
    %add3A_21 = arith.constant 0 : i32
    %add3A_22 = arith.addi %mul3A_20, %add3A_21 : i32
    %jit3A_23 = arith.constant 512 : i32
    %eq3A = arith.constant 0 : i32
    %eq3A_24 = arith.cmpi eq, %jit3A_23, %eq3A : i32
    %jit3A_25 = arith.constant 1 : i32
    %select_n3A_26 = arith.select %eq3A_24, %jit3A_25, %jit3A_23 : i32
    %rem3A_27 = arith.remsi %mul3A_2, %select_n3A_26 : i32
    %ne3A_28 = arith.constant 0 : i32
    %ne3A_29 = arith.cmpi ne, %rem3A_27, %ne3A_28 : i32
    %lt3A = arith.constant 0 : i32
    %lt3A_30 = arith.cmpi slt, %rem3A_27, %lt3A : i32
    %lt3A_31 = arith.constant 0 : i32
    %lt3A_32 = arith.cmpi slt, %select_n3A_26, %lt3A_31 : i32
    %ne3A_33 = arith.xori %lt3A_30, %lt3A_32 : i1
    %and3A_34 = arith.andi %ne3A_33, %ne3A_29 : i1
    %add3A_35 = arith.addi %rem3A_27, %select_n3A_26 : i32
    %select_n3A_36 = arith.select %and3A_34, %add3A_35, %rem3A_27 : i32
    %add3A_37 = arith.addi %add3A_22, %select_n3A_36 : i32
    "tpu.region"() ({
      %run_scoped3A = tpu.sem_alloc : memref<!tpu.dma_semaphore, #tpu.memory_space<semaphore_mem>>
      %dma_start3A_76 = tpu.memref_slice %arg3[%add3A_37] : memref<8192xi32, #tpu.memory_space<hbm>> -> memref<64xi32, #tpu.memory_space<hbm>>
      %dma_start3A_77 = tpu.memref_slice %arg3[%add3A_37] : memref<8192xi32, #tpu.memory_space<hbm>> -> memref<64xi32, #tpu.memory_space<hbm>>
      tpu.enqueue_dma source(%dma_start3A_77 : memref<64xi32, #tpu.memory_space<hbm>>) target(%arg5 : memref<64xi32, #tpu.memory_space<vmem>>) target_semaphore(%run_scoped3A : memref<!tpu.dma_semaphore, #tpu.memory_space<semaphore_mem>>)
      %dma_wait3A_78 = tpu.memref_slice %arg3[%add3A_37] : memref<8192xi32, #tpu.memory_space<hbm>> -> memref<64xi32, #tpu.memory_space<hbm>>
      %dma_wait3A_79 = tpu.memref_slice %arg3[%add3A_37] : memref<8192xi32, #tpu.memory_space<hbm>> -> memref<64xi32, #tpu.memory_space<hbm>>
      tpu.wait_dma2 semaphore(%run_scoped3A : memref<!tpu.dma_semaphore, #tpu.memory_space<semaphore_mem>>) src(%dma_wait3A_79 : memref<64xi32, #tpu.memory_space<hbm>>) dst(%arg5 : memref<64xi32, #tpu.memory_space<vmem>>)
      tpu.yield
    }) : () -> ()
    %dma_start3A = arith.constant 0 : i32
    %dma_start3A_38 = tpu.memref_slice %arg5[%dma_start3A] : memref<64xi32, #tpu.memory_space<vmem>> -> memref<32xi32, #tpu.memory_space<vmem>>
    %dma_start3A_39 = arith.constant 0 : i32
    %dma_start3A_40 = arith.constant 0 : i32
    %dma_start3A_41 = tpu.memref_slice %arg2[%dma_start3A_39, %dma_start3A_40] : memref<30522x1024xf32, #tpu.memory_space<hbm>> -> memref<30522x1024xf32, #tpu.memory_space<hbm>>
    tpu.enqueue_indirect_dma source(%dma_start3A_41 : memref<30522x1024xf32, #tpu.memory_space<hbm>>) target(%arg6 : memref<32x1024xf32, #tpu.memory_space<vmem>>) offsets(%dma_start3A_38 : memref<32xi32, #tpu.memory_space<vmem>>) semaphore(%arg8 : memref<!tpu.dma_semaphore, #tpu.memory_space<semaphore_mem>>)
    %dma_start3A_42 = arith.constant 32 : i32
    %dma_start3A_43 = tpu.memref_slice %arg5[%dma_start3A_42] : memref<64xi32, #tpu.memory_space<vmem>> -> memref<32xi32, #tpu.memory_space<vmem>>
    %dma_start3A_44 = arith.constant 0 : i32
    %dma_start3A_45 = arith.constant 0 : i32
    %dma_start3A_46 = tpu.memref_slice %arg2[%dma_start3A_44, %dma_start3A_45] : memref<30522x1024xf32, #tpu.memory_space<hbm>> -> memref<30522x1024xf32, #tpu.memory_space<hbm>>
    tpu.enqueue_indirect_dma source(%dma_start3A_46 : memref<30522x1024xf32, #tpu.memory_space<hbm>>) target(%arg7 : memref<32x1024xf32, #tpu.memory_space<vmem>>) offsets(%dma_start3A_43 : memref<32xi32, #tpu.memory_space<vmem>>) semaphore(%arg9 : memref<!tpu.dma_semaphore, #tpu.memory_space<semaphore_mem>>)
    %dma_wait3A = arith.constant 0 : i32
    %dma_wait3A_47 = tpu.memref_slice %arg5[%dma_wait3A] : memref<64xi32, #tpu.memory_space<vmem>> -> memref<32xi32, #tpu.memory_space<vmem>>
    %dma_wait3A_48 = arith.constant 0 : i32
    %dma_wait3A_49 = arith.constant 0 : i32
    %dma_wait3A_50 = tpu.memref_slice %arg2[%dma_wait3A_48, %dma_wait3A_49] : memref<30522x1024xf32, #tpu.memory_space<hbm>> -> memref<30522x1024xf32, #tpu.memory_space<hbm>>
    tpu.wait_indirect_dma semaphore(%arg8 : memref<!tpu.dma_semaphore, #tpu.memory_space<semaphore_mem>>) src(%dma_wait3A_50 : memref<30522x1024xf32, #tpu.memory_space<hbm>>) dst(%arg6 : memref<32x1024xf32, #tpu.memory_space<vmem>>)
    %add3A_51 = arith.constant 0 : i32
    %add3A_52 = arith.addi %mul3A_2, %add3A_51 : i32
    %dma_start3A_53 = arith.constant 0 : i32
    %dma_start3A_54 = tpu.memref_slice %arg4[%add3A_52, %dma_start3A_53] : memref<2048x1024xf32, #tpu.memory_space<hbm>> -> memref<32x1024xf32, #tpu.memory_space<hbm>>
    %dma_start3A_55 = arith.constant 0 : i32
    %dma_start3A_56 = tpu.memref_slice %arg4[%add3A_52, %dma_start3A_55] : memref<2048x1024xf32, #tpu.memory_space<hbm>> -> memref<32x1024xf32, #tpu.memory_space<hbm>>
    tpu.enqueue_dma source(%arg6 : memref<32x1024xf32, #tpu.memory_space<vmem>>) target(%dma_start3A_56 : memref<32x1024xf32, #tpu.memory_space<hbm>>) target_semaphore(%arg10 : memref<!tpu.dma_semaphore, #tpu.memory_space<semaphore_mem>>)
    %dma_wait3A_57 = arith.constant 32 : i32
    %dma_wait3A_58 = tpu.memref_slice %arg5[%dma_wait3A_57] : memref<64xi32, #tpu.memory_space<vmem>> -> memref<32xi32, #tpu.memory_space<vmem>>
    %dma_wait3A_59 = arith.constant 0 : i32
    %dma_wait3A_60 = arith.constant 0 : i32
    %dma_wait3A_61 = tpu.memref_slice %arg2[%dma_wait3A_59, %dma_wait3A_60] : memref<30522x1024xf32, #tpu.memory_space<hbm>> -> memref<30522x1024xf32, #tpu.memory_space<hbm>>
    tpu.wait_indirect_dma semaphore(%arg9 : memref<!tpu.dma_semaphore, #tpu.memory_space<semaphore_mem>>) src(%dma_wait3A_61 : memref<30522x1024xf32, #tpu.memory_space<hbm>>) dst(%arg7 : memref<32x1024xf32, #tpu.memory_space<vmem>>)
    %add3A_62 = arith.constant 32 : i32
    %add3A_63 = arith.addi %mul3A_2, %add3A_62 : i32
    %dma_start3A_64 = arith.constant 0 : i32
    %dma_start3A_65 = tpu.memref_slice %arg4[%add3A_63, %dma_start3A_64] : memref<2048x1024xf32, #tpu.memory_space<hbm>> -> memref<32x1024xf32, #tpu.memory_space<hbm>>
    %dma_start3A_66 = arith.constant 0 : i32
    %dma_start3A_67 = tpu.memref_slice %arg4[%add3A_63, %dma_start3A_66] : memref<2048x1024xf32, #tpu.memory_space<hbm>> -> memref<32x1024xf32, #tpu.memory_space<hbm>>
    tpu.enqueue_dma source(%arg7 : memref<32x1024xf32, #tpu.memory_space<vmem>>) target(%dma_start3A_67 : memref<32x1024xf32, #tpu.memory_space<hbm>>) target_semaphore(%arg11 : memref<!tpu.dma_semaphore, #tpu.memory_space<semaphore_mem>>)
    %dma_wait3A_68 = arith.constant 0 : i32
    %dma_wait3A_69 = tpu.memref_slice %arg4[%add3A_52, %dma_wait3A_68] : memref<2048x1024xf32, #tpu.memory_space<hbm>> -> memref<32x1024xf32, #tpu.memory_space<hbm>>
    %dma_wait3A_70 = arith.constant 0 : i32
    %dma_wait3A_71 = tpu.memref_slice %arg4[%add3A_52, %dma_wait3A_70] : memref<2048x1024xf32, #tpu.memory_space<hbm>> -> memref<32x1024xf32, #tpu.memory_space<hbm>>
    tpu.wait_dma2 semaphore(%arg10 : memref<!tpu.dma_semaphore, #tpu.memory_space<semaphore_mem>>) src(%arg6 : memref<32x1024xf32, #tpu.memory_space<vmem>>) dst(%dma_wait3A_71 : memref<32x1024xf32, #tpu.memory_space<hbm>>)
    %dma_wait3A_72 = arith.constant 0 : i32
    %dma_wait3A_73 = tpu.memref_slice %arg4[%add3A_63, %dma_wait3A_72] : memref<2048x1024xf32, #tpu.memory_space<hbm>> -> memref<32x1024xf32, #tpu.memory_space<hbm>>
    %dma_wait3A_74 = arith.constant 0 : i32
    %dma_wait3A_75 = tpu.memref_slice %arg4[%add3A_63, %dma_wait3A_74] : memref<2048x1024xf32, #tpu.memory_space<hbm>> -> memref<32x1024xf32, #tpu.memory_space<hbm>>
    tpu.wait_dma2 semaphore(%arg11 : memref<!tpu.dma_semaphore, #tpu.memory_space<semaphore_mem>>) src(%arg7 : memref<32x1024xf32, #tpu.memory_space<vmem>>) dst(%dma_wait3A_75 : memref<32x1024xf32, #tpu.memory_space<hbm>>)
    return
  }
}

#map = affine_map<(d0, d1) -> (0, 0)>
#map1 = affine_map<(d0, d1) -> (0)>
module attributes {stable_mosaic.version = 14 : i64} {
  func.func @gather_kernel(%arg0: i32, %arg1: i32, %arg2: memref<30522x1024xf32, #tpu.memory_space<hbm>>, %arg3: memref<8192xi32, #tpu.memory_space<hbm>>, %arg4: memref<6144x1024xf32, #tpu.memory_space<hbm>>, %arg5: memref<192xi32, #tpu.memory_space<vmem>>, %arg6: memref<32x1024xf32, #tpu.memory_space<vmem>>, %arg7: memref<32x1024xf32, #tpu.memory_space<vmem>>, %arg8: memref<!tpu.dma_semaphore, #tpu.memory_space<semaphore_mem>>, %arg9: memref<!tpu.dma_semaphore, #tpu.memory_space<semaphore_mem>>, %arg10: memref<!tpu.dma_semaphore, #tpu.memory_space<semaphore_mem>>, %arg11: memref<!tpu.dma_semaphore, #tpu.memory_space<semaphore_mem>>) attributes {dimension_semantics = [#tpu.dimension_semantics<core_parallel>, #tpu.dimension_semantics<subcore_parallel>], iteration_bounds = array<i64: 2, 16>, scalar_prefetch = 0 : i64, scratch_operands = 7 : i64, tpu.core_type = #tpu.core_type<sc_vector_subcore>, window_params = [{transform_indices = #map}, {transform_indices = #map1}, {transform_indices = #map}]} {
    %mul3A = arith.constant 2 : i32
    %mul3A_0 = arith.muli %arg1, %mul3A : i32
    %add3A = arith.addi %mul3A_0, %arg0 : i32
    %mul3A_1 = arith.constant 192 : i32
    %mul3A_2 = arith.muli %add3A, %mul3A_1 : i32
    %jit3A = arith.constant 1536 : i32
    %div3A = arith.divsi %mul3A_2, %jit3A : i32
    %sign3A = arith.constant 0 : i32
    %sign3A_3 = arith.cmpi sgt, %mul3A_2, %sign3A : i32
    %sign3A_4 = arith.extui %sign3A_3 : i1 to i32
    %sign3A_5 = arith.constant 0 : i32
    %sign3A_6 = arith.cmpi slt, %mul3A_2, %sign3A_5 : i32
    %sign3A_7 = arith.extui %sign3A_6 : i1 to i32
    %sign3A_8 = arith.subi %sign3A_4, %sign3A_7 : i32
    %sign3A_9 = arith.constant 0 : i32
    %sign3A_10 = arith.cmpi sgt, %jit3A, %sign3A_9 : i32
    %sign3A_11 = arith.extui %sign3A_10 : i1 to i32
    %sign3A_12 = arith.constant 0 : i32
    %sign3A_13 = arith.cmpi slt, %jit3A, %sign3A_12 : i32
    %sign3A_14 = arith.extui %sign3A_13 : i1 to i32
    %sign3A_15 = arith.subi %sign3A_11, %sign3A_14 : i32
    %ne3A = arith.cmpi ne, %sign3A_8, %sign3A_15 : i32
    %rem3A = arith.remsi %mul3A_2, %jit3A : i32
    %ne3A_16 = arith.constant 0 : i32
    %ne3A_17 = arith.cmpi ne, %rem3A, %ne3A_16 : i32
    %and3A = arith.andi %ne3A, %ne3A_17 : i1
    %sub3A = arith.constant 1 : i32
    %sub3A_18 = arith.subi %div3A, %sub3A : i32
    %select_n3A = arith.select %and3A, %sub3A_18, %div3A : i32
    %mul3A_19 = arith.constant 2048 : i32
    %mul3A_20 = arith.muli %select_n3A, %mul3A_19 : i32
    %add3A_21 = arith.constant 512 : i32
    %add3A_22 = arith.addi %mul3A_20, %add3A_21 : i32
    %jit3A_23 = arith.constant 1536 : i32
    %eq3A = arith.constant 0 : i32
    %eq3A_24 = arith.cmpi eq, %jit3A_23, %eq3A : i32
    %jit3A_25 = arith.constant 1 : i32
    %select_n3A_26 = arith.select %eq3A_24, %jit3A_25, %jit3A_23 : i32
    %rem3A_27 = arith.remsi %mul3A_2, %select_n3A_26 : i32
    %ne3A_28 = arith.constant 0 : i32
    %ne3A_29 = arith.cmpi ne, %rem3A_27, %ne3A_28 : i32
    %lt3A = arith.constant 0 : i32
    %lt3A_30 = arith.cmpi slt, %rem3A_27, %lt3A : i32
    %lt3A_31 = arith.constant 0 : i32
    %lt3A_32 = arith.cmpi slt, %select_n3A_26, %lt3A_31 : i32
    %ne3A_33 = arith.xori %lt3A_30, %lt3A_32 : i1
    %and3A_34 = arith.andi %ne3A_33, %ne3A_29 : i1
    %add3A_35 = arith.addi %rem3A_27, %select_n3A_26 : i32
    %select_n3A_36 = arith.select %and3A_34, %add3A_35, %rem3A_27 : i32
    %add3A_37 = arith.addi %add3A_22, %select_n3A_36 : i32
    "tpu.region"() ({
      %run_scoped3A = tpu.sem_alloc : memref<!tpu.dma_semaphore, #tpu.memory_space<semaphore_mem>>
      %dma_start3A_156 = tpu.memref_slice %arg3[%add3A_37] : memref<8192xi32, #tpu.memory_space<hbm>> -> memref<192xi32, #tpu.memory_space<hbm>>
      %dma_start3A_157 = tpu.memref_slice %arg3[%add3A_37] : memref<8192xi32, #tpu.memory_space<hbm>> -> memref<192xi32, #tpu.memory_space<hbm>>
      tpu.enqueue_dma source(%dma_start3A_157 : memref<192xi32, #tpu.memory_space<hbm>>) target(%arg5 : memref<192xi32, #tpu.memory_space<vmem>>) target_semaphore(%run_scoped3A : memref<!tpu.dma_semaphore, #tpu.memory_space<semaphore_mem>>)
      %dma_wait3A_158 = tpu.memref_slice %arg3[%add3A_37] : memref<8192xi32, #tpu.memory_space<hbm>> -> memref<192xi32, #tpu.memory_space<hbm>>
      %dma_wait3A_159 = tpu.memref_slice %arg3[%add3A_37] : memref<8192xi32, #tpu.memory_space<hbm>> -> memref<192xi32, #tpu.memory_space<hbm>>
      tpu.wait_dma2 semaphore(%run_scoped3A : memref<!tpu.dma_semaphore, #tpu.memory_space<semaphore_mem>>) src(%dma_wait3A_159 : memref<192xi32, #tpu.memory_space<hbm>>) dst(%arg5 : memref<192xi32, #tpu.memory_space<vmem>>)
      tpu.yield
    }) : () -> ()
    %dma_start3A = arith.constant 0 : i32
    %dma_start3A_38 = tpu.memref_slice %arg5[%dma_start3A] : memref<192xi32, #tpu.memory_space<vmem>> -> memref<32xi32, #tpu.memory_space<vmem>>
    %dma_start3A_39 = arith.constant 0 : i32
    %dma_start3A_40 = arith.constant 0 : i32
    %dma_start3A_41 = tpu.memref_slice %arg2[%dma_start3A_39, %dma_start3A_40] : memref<30522x1024xf32, #tpu.memory_space<hbm>> -> memref<30522x1024xf32, #tpu.memory_space<hbm>>
    tpu.enqueue_indirect_dma source(%dma_start3A_41 : memref<30522x1024xf32, #tpu.memory_space<hbm>>) target(%arg6 : memref<32x1024xf32, #tpu.memory_space<vmem>>) offsets(%dma_start3A_38 : memref<32xi32, #tpu.memory_space<vmem>>) semaphore(%arg8 : memref<!tpu.dma_semaphore, #tpu.memory_space<semaphore_mem>>)
    %dma_start3A_42 = arith.constant 32 : i32
    %dma_start3A_43 = tpu.memref_slice %arg5[%dma_start3A_42] : memref<192xi32, #tpu.memory_space<vmem>> -> memref<32xi32, #tpu.memory_space<vmem>>
    %dma_start3A_44 = arith.constant 0 : i32
    %dma_start3A_45 = arith.constant 0 : i32
    %dma_start3A_46 = tpu.memref_slice %arg2[%dma_start3A_44, %dma_start3A_45] : memref<30522x1024xf32, #tpu.memory_space<hbm>> -> memref<30522x1024xf32, #tpu.memory_space<hbm>>
    tpu.enqueue_indirect_dma source(%dma_start3A_46 : memref<30522x1024xf32, #tpu.memory_space<hbm>>) target(%arg7 : memref<32x1024xf32, #tpu.memory_space<vmem>>) offsets(%dma_start3A_43 : memref<32xi32, #tpu.memory_space<vmem>>) semaphore(%arg9 : memref<!tpu.dma_semaphore, #tpu.memory_space<semaphore_mem>>)
    %dma_wait3A = arith.constant 0 : i32
    %dma_wait3A_47 = tpu.memref_slice %arg5[%dma_wait3A] : memref<192xi32, #tpu.memory_space<vmem>> -> memref<32xi32, #tpu.memory_space<vmem>>
    %dma_wait3A_48 = arith.constant 0 : i32
    %dma_wait3A_49 = arith.constant 0 : i32
    %dma_wait3A_50 = tpu.memref_slice %arg2[%dma_wait3A_48, %dma_wait3A_49] : memref<30522x1024xf32, #tpu.memory_space<hbm>> -> memref<30522x1024xf32, #tpu.memory_space<hbm>>
    tpu.wait_indirect_dma semaphore(%arg8 : memref<!tpu.dma_semaphore, #tpu.memory_space<semaphore_mem>>) src(%dma_wait3A_50 : memref<30522x1024xf32, #tpu.memory_space<hbm>>) dst(%arg6 : memref<32x1024xf32, #tpu.memory_space<vmem>>)
    %add3A_51 = arith.constant 0 : i32
    %add3A_52 = arith.addi %mul3A_2, %add3A_51 : i32
    %dma_start3A_53 = arith.constant 0 : i32
    %dma_start3A_54 = tpu.memref_slice %arg4[%add3A_52, %dma_start3A_53] : memref<6144x1024xf32, #tpu.memory_space<hbm>> -> memref<32x1024xf32, #tpu.memory_space<hbm>>
    %dma_start3A_55 = arith.constant 0 : i32
    %dma_start3A_56 = tpu.memref_slice %arg4[%add3A_52, %dma_start3A_55] : memref<6144x1024xf32, #tpu.memory_space<hbm>> -> memref<32x1024xf32, #tpu.memory_space<hbm>>
    tpu.enqueue_dma source(%arg6 : memref<32x1024xf32, #tpu.memory_space<vmem>>) target(%dma_start3A_56 : memref<32x1024xf32, #tpu.memory_space<hbm>>) target_semaphore(%arg10 : memref<!tpu.dma_semaphore, #tpu.memory_space<semaphore_mem>>)
    %dma_wait3A_57 = arith.constant 0 : i32
    %dma_wait3A_58 = tpu.memref_slice %arg4[%add3A_52, %dma_wait3A_57] : memref<6144x1024xf32, #tpu.memory_space<hbm>> -> memref<32x1024xf32, #tpu.memory_space<hbm>>
    %dma_wait3A_59 = arith.constant 0 : i32
    %dma_wait3A_60 = tpu.memref_slice %arg4[%add3A_52, %dma_wait3A_59] : memref<6144x1024xf32, #tpu.memory_space<hbm>> -> memref<32x1024xf32, #tpu.memory_space<hbm>>
    tpu.wait_dma2 semaphore(%arg10 : memref<!tpu.dma_semaphore, #tpu.memory_space<semaphore_mem>>) src(%arg6 : memref<32x1024xf32, #tpu.memory_space<vmem>>) dst(%dma_wait3A_60 : memref<32x1024xf32, #tpu.memory_space<hbm>>)
    %dma_start3A_61 = arith.constant 64 : i32
    %dma_start3A_62 = tpu.memref_slice %arg5[%dma_start3A_61] : memref<192xi32, #tpu.memory_space<vmem>> -> memref<32xi32, #tpu.memory_space<vmem>>
    %dma_start3A_63 = arith.constant 0 : i32
    %dma_start3A_64 = arith.constant 0 : i32
    %dma_start3A_65 = tpu.memref_slice %arg2[%dma_start3A_63, %dma_start3A_64] : memref<30522x1024xf32, #tpu.memory_space<hbm>> -> memref<30522x1024xf32, #tpu.memory_space<hbm>>
    tpu.enqueue_indirect_dma source(%dma_start3A_65 : memref<30522x1024xf32, #tpu.memory_space<hbm>>) target(%arg6 : memref<32x1024xf32, #tpu.memory_space<vmem>>) offsets(%dma_start3A_62 : memref<32xi32, #tpu.memory_space<vmem>>) semaphore(%arg8 : memref<!tpu.dma_semaphore, #tpu.memory_space<semaphore_mem>>)
    %dma_wait3A_66 = arith.constant 32 : i32
    %dma_wait3A_67 = tpu.memref_slice %arg5[%dma_wait3A_66] : memref<192xi32, #tpu.memory_space<vmem>> -> memref<32xi32, #tpu.memory_space<vmem>>
    %dma_wait3A_68 = arith.constant 0 : i32
    %dma_wait3A_69 = arith.constant 0 : i32
    %dma_wait3A_70 = tpu.memref_slice %arg2[%dma_wait3A_68, %dma_wait3A_69] : memref<30522x1024xf32, #tpu.memory_space<hbm>> -> memref<30522x1024xf32, #tpu.memory_space<hbm>>
    tpu.wait_indirect_dma semaphore(%arg9 : memref<!tpu.dma_semaphore, #tpu.memory_space<semaphore_mem>>) src(%dma_wait3A_70 : memref<30522x1024xf32, #tpu.memory_space<hbm>>) dst(%arg7 : memref<32x1024xf32, #tpu.memory_space<vmem>>)
    %add3A_71 = arith.constant 32 : i32
    %add3A_72 = arith.addi %mul3A_2, %add3A_71 : i32
    %dma_start3A_73 = arith.constant 0 : i32
    %dma_start3A_74 = tpu.memref_slice %arg4[%add3A_72, %dma_start3A_73] : memref<6144x1024xf32, #tpu.memory_space<hbm>> -> memref<32x1024xf32, #tpu.memory_space<hbm>>
    %dma_start3A_75 = arith.constant 0 : i32
    %dma_start3A_76 = tpu.memref_slice %arg4[%add3A_72, %dma_start3A_75] : memref<6144x1024xf32, #tpu.memory_space<hbm>> -> memref<32x1024xf32, #tpu.memory_space<hbm>>
    tpu.enqueue_dma source(%arg7 : memref<32x1024xf32, #tpu.memory_space<vmem>>) target(%dma_start3A_76 : memref<32x1024xf32, #tpu.memory_space<hbm>>) target_semaphore(%arg11 : memref<!tpu.dma_semaphore, #tpu.memory_space<semaphore_mem>>)
    %dma_wait3A_77 = arith.constant 0 : i32
    %dma_wait3A_78 = tpu.memref_slice %arg4[%add3A_72, %dma_wait3A_77] : memref<6144x1024xf32, #tpu.memory_space<hbm>> -> memref<32x1024xf32, #tpu.memory_space<hbm>>
    %dma_wait3A_79 = arith.constant 0 : i32
    %dma_wait3A_80 = tpu.memref_slice %arg4[%add3A_72, %dma_wait3A_79] : memref<6144x1024xf32, #tpu.memory_space<hbm>> -> memref<32x1024xf32, #tpu.memory_space<hbm>>
    tpu.wait_dma2 semaphore(%arg11 : memref<!tpu.dma_semaphore, #tpu.memory_space<semaphore_mem>>) src(%arg7 : memref<32x1024xf32, #tpu.memory_space<vmem>>) dst(%dma_wait3A_80 : memref<32x1024xf32, #tpu.memory_space<hbm>>)
    %dma_start3A_81 = arith.constant 96 : i32
    %dma_start3A_82 = tpu.memref_slice %arg5[%dma_start3A_81] : memref<192xi32, #tpu.memory_space<vmem>> -> memref<32xi32, #tpu.memory_space<vmem>>
    %dma_start3A_83 = arith.constant 0 : i32
    %dma_start3A_84 = arith.constant 0 : i32
    %dma_start3A_85 = tpu.memref_slice %arg2[%dma_start3A_83, %dma_start3A_84] : memref<30522x1024xf32, #tpu.memory_space<hbm>> -> memref<30522x1024xf32, #tpu.memory_space<hbm>>
    tpu.enqueue_indirect_dma source(%dma_start3A_85 : memref<30522x1024xf32, #tpu.memory_space<hbm>>) target(%arg7 : memref<32x1024xf32, #tpu.memory_space<vmem>>) offsets(%dma_start3A_82 : memref<32xi32, #tpu.memory_space<vmem>>) semaphore(%arg9 : memref<!tpu.dma_semaphore, #tpu.memory_space<semaphore_mem>>)
    %dma_wait3A_86 = arith.constant 64 : i32
    %dma_wait3A_87 = tpu.memref_slice %arg5[%dma_wait3A_86] : memref<192xi32, #tpu.memory_space<vmem>> -> memref<32xi32, #tpu.memory_space<vmem>>
    %dma_wait3A_88 = arith.constant 0 : i32
    %dma_wait3A_89 = arith.constant 0 : i32
    %dma_wait3A_90 = tpu.memref_slice %arg2[%dma_wait3A_88, %dma_wait3A_89] : memref<30522x1024xf32, #tpu.memory_space<hbm>> -> memref<30522x1024xf32, #tpu.memory_space<hbm>>
    tpu.wait_indirect_dma semaphore(%arg8 : memref<!tpu.dma_semaphore, #tpu.memory_space<semaphore_mem>>) src(%dma_wait3A_90 : memref<30522x1024xf32, #tpu.memory_space<hbm>>) dst(%arg6 : memref<32x1024xf32, #tpu.memory_space<vmem>>)
    %add3A_91 = arith.constant 64 : i32
    %add3A_92 = arith.addi %mul3A_2, %add3A_91 : i32
    %dma_start3A_93 = arith.constant 0 : i32
    %dma_start3A_94 = tpu.memref_slice %arg4[%add3A_92, %dma_start3A_93] : memref<6144x1024xf32, #tpu.memory_space<hbm>> -> memref<32x1024xf32, #tpu.memory_space<hbm>>
    %dma_start3A_95 = arith.constant 0 : i32
    %dma_start3A_96 = tpu.memref_slice %arg4[%add3A_92, %dma_start3A_95] : memref<6144x1024xf32, #tpu.memory_space<hbm>> -> memref<32x1024xf32, #tpu.memory_space<hbm>>
    tpu.enqueue_dma source(%arg6 : memref<32x1024xf32, #tpu.memory_space<vmem>>) target(%dma_start3A_96 : memref<32x1024xf32, #tpu.memory_space<hbm>>) target_semaphore(%arg10 : memref<!tpu.dma_semaphore, #tpu.memory_space<semaphore_mem>>)
    %dma_wait3A_97 = arith.constant 0 : i32
    %dma_wait3A_98 = tpu.memref_slice %arg4[%add3A_92, %dma_wait3A_97] : memref<6144x1024xf32, #tpu.memory_space<hbm>> -> memref<32x1024xf32, #tpu.memory_space<hbm>>
    %dma_wait3A_99 = arith.constant 0 : i32
    %dma_wait3A_100 = tpu.memref_slice %arg4[%add3A_92, %dma_wait3A_99] : memref<6144x1024xf32, #tpu.memory_space<hbm>> -> memref<32x1024xf32, #tpu.memory_space<hbm>>
    tpu.wait_dma2 semaphore(%arg10 : memref<!tpu.dma_semaphore, #tpu.memory_space<semaphore_mem>>) src(%arg6 : memref<32x1024xf32, #tpu.memory_space<vmem>>) dst(%dma_wait3A_100 : memref<32x1024xf32, #tpu.memory_space<hbm>>)
    %dma_start3A_101 = arith.constant 128 : i32
    %dma_start3A_102 = tpu.memref_slice %arg5[%dma_start3A_101] : memref<192xi32, #tpu.memory_space<vmem>> -> memref<32xi32, #tpu.memory_space<vmem>>
    %dma_start3A_103 = arith.constant 0 : i32
    %dma_start3A_104 = arith.constant 0 : i32
    %dma_start3A_105 = tpu.memref_slice %arg2[%dma_start3A_103, %dma_start3A_104] : memref<30522x1024xf32, #tpu.memory_space<hbm>> -> memref<30522x1024xf32, #tpu.memory_space<hbm>>
    tpu.enqueue_indirect_dma source(%dma_start3A_105 : memref<30522x1024xf32, #tpu.memory_space<hbm>>) target(%arg6 : memref<32x1024xf32, #tpu.memory_space<vmem>>) offsets(%dma_start3A_102 : memref<32xi32, #tpu.memory_space<vmem>>) semaphore(%arg8 : memref<!tpu.dma_semaphore, #tpu.memory_space<semaphore_mem>>)
    %dma_wait3A_106 = arith.constant 96 : i32
    %dma_wait3A_107 = tpu.memref_slice %arg5[%dma_wait3A_106] : memref<192xi32, #tpu.memory_space<vmem>> -> memref<32xi32, #tpu.memory_space<vmem>>
    %dma_wait3A_108 = arith.constant 0 : i32
    %dma_wait3A_109 = arith.constant 0 : i32
    %dma_wait3A_110 = tpu.memref_slice %arg2[%dma_wait3A_108, %dma_wait3A_109] : memref<30522x1024xf32, #tpu.memory_space<hbm>> -> memref<30522x1024xf32, #tpu.memory_space<hbm>>
    tpu.wait_indirect_dma semaphore(%arg9 : memref<!tpu.dma_semaphore, #tpu.memory_space<semaphore_mem>>) src(%dma_wait3A_110 : memref<30522x1024xf32, #tpu.memory_space<hbm>>) dst(%arg7 : memref<32x1024xf32, #tpu.memory_space<vmem>>)
    %add3A_111 = arith.constant 96 : i32
    %add3A_112 = arith.addi %mul3A_2, %add3A_111 : i32
    %dma_start3A_113 = arith.constant 0 : i32
    %dma_start3A_114 = tpu.memref_slice %arg4[%add3A_112, %dma_start3A_113] : memref<6144x1024xf32, #tpu.memory_space<hbm>> -> memref<32x1024xf32, #tpu.memory_space<hbm>>
    %dma_start3A_115 = arith.constant 0 : i32
    %dma_start3A_116 = tpu.memref_slice %arg4[%add3A_112, %dma_start3A_115] : memref<6144x1024xf32, #tpu.memory_space<hbm>> -> memref<32x1024xf32, #tpu.memory_space<hbm>>
    tpu.enqueue_dma source(%arg7 : memref<32x1024xf32, #tpu.memory_space<vmem>>) target(%dma_start3A_116 : memref<32x1024xf32, #tpu.memory_space<hbm>>) target_semaphore(%arg11 : memref<!tpu.dma_semaphore, #tpu.memory_space<semaphore_mem>>)
    %dma_wait3A_117 = arith.constant 0 : i32
    %dma_wait3A_118 = tpu.memref_slice %arg4[%add3A_112, %dma_wait3A_117] : memref<6144x1024xf32, #tpu.memory_space<hbm>> -> memref<32x1024xf32, #tpu.memory_space<hbm>>
    %dma_wait3A_119 = arith.constant 0 : i32
    %dma_wait3A_120 = tpu.memref_slice %arg4[%add3A_112, %dma_wait3A_119] : memref<6144x1024xf32, #tpu.memory_space<hbm>> -> memref<32x1024xf32, #tpu.memory_space<hbm>>
    tpu.wait_dma2 semaphore(%arg11 : memref<!tpu.dma_semaphore, #tpu.memory_space<semaphore_mem>>) src(%arg7 : memref<32x1024xf32, #tpu.memory_space<vmem>>) dst(%dma_wait3A_120 : memref<32x1024xf32, #tpu.memory_space<hbm>>)
    %dma_start3A_121 = arith.constant 160 : i32
    %dma_start3A_122 = tpu.memref_slice %arg5[%dma_start3A_121] : memref<192xi32, #tpu.memory_space<vmem>> -> memref<32xi32, #tpu.memory_space<vmem>>
    %dma_start3A_123 = arith.constant 0 : i32
    %dma_start3A_124 = arith.constant 0 : i32
    %dma_start3A_125 = tpu.memref_slice %arg2[%dma_start3A_123, %dma_start3A_124] : memref<30522x1024xf32, #tpu.memory_space<hbm>> -> memref<30522x1024xf32, #tpu.memory_space<hbm>>
    tpu.enqueue_indirect_dma source(%dma_start3A_125 : memref<30522x1024xf32, #tpu.memory_space<hbm>>) target(%arg7 : memref<32x1024xf32, #tpu.memory_space<vmem>>) offsets(%dma_start3A_122 : memref<32xi32, #tpu.memory_space<vmem>>) semaphore(%arg9 : memref<!tpu.dma_semaphore, #tpu.memory_space<semaphore_mem>>)
    %dma_wait3A_126 = arith.constant 128 : i32
    %dma_wait3A_127 = tpu.memref_slice %arg5[%dma_wait3A_126] : memref<192xi32, #tpu.memory_space<vmem>> -> memref<32xi32, #tpu.memory_space<vmem>>
    %dma_wait3A_128 = arith.constant 0 : i32
    %dma_wait3A_129 = arith.constant 0 : i32
    %dma_wait3A_130 = tpu.memref_slice %arg2[%dma_wait3A_128, %dma_wait3A_129] : memref<30522x1024xf32, #tpu.memory_space<hbm>> -> memref<30522x1024xf32, #tpu.memory_space<hbm>>
    tpu.wait_indirect_dma semaphore(%arg8 : memref<!tpu.dma_semaphore, #tpu.memory_space<semaphore_mem>>) src(%dma_wait3A_130 : memref<30522x1024xf32, #tpu.memory_space<hbm>>) dst(%arg6 : memref<32x1024xf32, #tpu.memory_space<vmem>>)
    %add3A_131 = arith.constant 128 : i32
    %add3A_132 = arith.addi %mul3A_2, %add3A_131 : i32
    %dma_start3A_133 = arith.constant 0 : i32
    %dma_start3A_134 = tpu.memref_slice %arg4[%add3A_132, %dma_start3A_133] : memref<6144x1024xf32, #tpu.memory_space<hbm>> -> memref<32x1024xf32, #tpu.memory_space<hbm>>
    %dma_start3A_135 = arith.constant 0 : i32
    %dma_start3A_136 = tpu.memref_slice %arg4[%add3A_132, %dma_start3A_135] : memref<6144x1024xf32, #tpu.memory_space<hbm>> -> memref<32x1024xf32, #tpu.memory_space<hbm>>
    tpu.enqueue_dma source(%arg6 : memref<32x1024xf32, #tpu.memory_space<vmem>>) target(%dma_start3A_136 : memref<32x1024xf32, #tpu.memory_space<hbm>>) target_semaphore(%arg10 : memref<!tpu.dma_semaphore, #tpu.memory_space<semaphore_mem>>)
    %dma_wait3A_137 = arith.constant 160 : i32
    %dma_wait3A_138 = tpu.memref_slice %arg5[%dma_wait3A_137] : memref<192xi32, #tpu.memory_space<vmem>> -> memref<32xi32, #tpu.memory_space<vmem>>
    %dma_wait3A_139 = arith.constant 0 : i32
    %dma_wait3A_140 = arith.constant 0 : i32
    %dma_wait3A_141 = tpu.memref_slice %arg2[%dma_wait3A_139, %dma_wait3A_140] : memref<30522x1024xf32, #tpu.memory_space<hbm>> -> memref<30522x1024xf32, #tpu.memory_space<hbm>>
    tpu.wait_indirect_dma semaphore(%arg9 : memref<!tpu.dma_semaphore, #tpu.memory_space<semaphore_mem>>) src(%dma_wait3A_141 : memref<30522x1024xf32, #tpu.memory_space<hbm>>) dst(%arg7 : memref<32x1024xf32, #tpu.memory_space<vmem>>)
    %add3A_142 = arith.constant 160 : i32
    %add3A_143 = arith.addi %mul3A_2, %add3A_142 : i32
    %dma_start3A_144 = arith.constant 0 : i32
    %dma_start3A_145 = tpu.memref_slice %arg4[%add3A_143, %dma_start3A_144] : memref<6144x1024xf32, #tpu.memory_space<hbm>> -> memref<32x1024xf32, #tpu.memory_space<hbm>>
    %dma_start3A_146 = arith.constant 0 : i32
    %dma_start3A_147 = tpu.memref_slice %arg4[%add3A_143, %dma_start3A_146] : memref<6144x1024xf32, #tpu.memory_space<hbm>> -> memref<32x1024xf32, #tpu.memory_space<hbm>>
    tpu.enqueue_dma source(%arg7 : memref<32x1024xf32, #tpu.memory_space<vmem>>) target(%dma_start3A_147 : memref<32x1024xf32, #tpu.memory_space<hbm>>) target_semaphore(%arg11 : memref<!tpu.dma_semaphore, #tpu.memory_space<semaphore_mem>>)
    %dma_wait3A_148 = arith.constant 0 : i32
    %dma_wait3A_149 = tpu.memref_slice %arg4[%add3A_132, %dma_wait3A_148] : memref<6144x1024xf32, #tpu.memory_space<hbm>> -> memref<32x1024xf32, #tpu.memory_space<hbm>>
    %dma_wait3A_150 = arith.constant 0 : i32
    %dma_wait3A_151 = tpu.memref_slice %arg4[%add3A_132, %dma_wait3A_150] : memref<6144x1024xf32, #tpu.memory_space<hbm>> -> memref<32x1024xf32, #tpu.memory_space<hbm>>
    tpu.wait_dma2 semaphore(%arg10 : memref<!tpu.dma_semaphore, #tpu.memory_space<semaphore_mem>>) src(%arg6 : memref<32x1024xf32, #tpu.memory_space<vmem>>) dst(%dma_wait3A_151 : memref<32x1024xf32, #tpu.memory_space<hbm>>)
    %dma_wait3A_152 = arith.constant 0 : i32
    %dma_wait3A_153 = tpu.memref_slice %arg4[%add3A_143, %dma_wait3A_152] : memref<6144x1024xf32, #tpu.memory_space<hbm>> -> memref<32x1024xf32, #tpu.memory_space<hbm>>
    %dma_wait3A_154 = arith.constant 0 : i32
    %dma_wait3A_155 = tpu.memref_slice %arg4[%add3A_143, %dma_wait3A_154] : memref<6144x1024xf32, #tpu.memory_space<hbm>> -> memref<32x1024xf32, #tpu.memory_space<hbm>>
    tpu.wait_dma2 semaphore(%arg11 : memref<!tpu.dma_semaphore, #tpu.memory_space<semaphore_mem>>) src(%arg7 : memref<32x1024xf32, #tpu.memory_space<vmem>>) dst(%dma_wait3A_155 : memref<32x1024xf32, #tpu.memory_space<hbm>>)
    return
  }
}

module attributes {stable_mosaic.version = 14 : i64} {
  func.func @_ln_body_acc(%arg0: i32, %arg1: i32, %arg2: memref<512x1024xf32, #tpu.memory_space<vmem>>, %arg3: memref<512x1xf32, #tpu.memory_space<vmem>>, %arg4: memref<512x1024xf32, #tpu.memory_space<vmem>>, %arg5: memref<2x1024xf32, #tpu.memory_space<vmem>>, %arg6: memref<1x1024xf32, #tpu.memory_space<vmem>>, %arg7: memref<1x1024xf32, #tpu.memory_space<vmem>>, %arg8: memref<8192x1024xf32, #tpu.memory_space<any>>, %arg9: memref<512x1024xf32, #tpu.memory_space<vmem>>) attributes {dimension_semantics = [#tpu.dimension_semantics<arbitrary>, #tpu.dimension_semantics<arbitrary>], iteration_bounds = array<i64: 3, 4>, scalar_prefetch = 0 : i64, scratch_operands = 0 : i64, tpu.core_type = #tpu.core_type<tc>, window_params = [{transform_indices = @transform_0, window_bounds = array<i64: 512, 1024>}, {transform_indices = @transform_1, window_bounds = array<i64: 512, 1>}, {transform_indices = @transform_2, window_bounds = array<i64: 512, 1024>}, {pipeline_mode = #tpu.pipeline_mode<synchronous>, transform_indices = @transform_3, window_bounds = array<i64: 2, 1024>}, {pipeline_mode = #tpu.pipeline_mode<synchronous>, transform_indices = @transform_4, window_bounds = array<i64: 1, 1024>}, {pipeline_mode = #tpu.pipeline_mode<synchronous>, transform_indices = @transform_5, window_bounds = array<i64: 1, 1024>}, {}, {transform_indices = @transform_7, window_bounds = array<i64: 512, 1024>}]} {
    %get3A = arith.constant 0 : index
    %get3A_0 = arith.constant 0 : index
    %get3A_1 = vector.load %arg5[%get3A, %get3A_0] : memref<2x1024xf32, #tpu.memory_space<vmem>>, vector<1x1024xf32>
    %get3A_2 = arith.constant 1 : index
    %get3A_3 = arith.constant 0 : index
    %get3A_4 = vector.load %arg5[%get3A_2, %get3A_3] : memref<2x1024xf32, #tpu.memory_space<vmem>>, vector<1x1024xf32>
    %sub3A = arith.subf %get3A_4, %get3A_1 : vector<1x1024xf32>
    %get3A_5 = arith.constant 0 : index
    %get3A_6 = arith.constant 0 : index
    %get3A_7 = vector.load %arg3[%get3A_5, %get3A_6] : memref<512x1xf32, #tpu.memory_space<vmem>>, vector<512x1xf32>
    %get3A_8 = arith.constant 0 : index
    %get3A_9 = arith.constant 0 : index
    %get3A_10 = vector.load %arg2[%get3A_8, %get3A_9] : memref<512x1024xf32, #tpu.memory_space<vmem>>, vector<512x1024xf32>
    %get3A_11 = arith.constant 0 : index
    %get3A_12 = arith.constant 0 : index
    %get3A_13 = vector.load %arg4[%get3A_11, %get3A_12] : memref<512x1024xf32, #tpu.memory_space<vmem>>, vector<512x1024xf32>
    %add3A = arith.addf %get3A_10, %get3A_13 : vector<512x1024xf32>
    %add3A_14 = vector.broadcast %get3A_1 : vector<1x1024xf32> to vector<512x1024xf32>
    %add3A_15 = arith.addf %add3A, %add3A_14 : vector<512x1024xf32>
    %mul3A = vector.broadcast %get3A_7 : vector<512x1xf32> to vector<512x1024xf32>
    %mul3A_16 = vector.broadcast %sub3A : vector<1x1024xf32> to vector<512x1024xf32>
    %mul3A_17 = arith.mulf %mul3A, %mul3A_16 : vector<512x1024xf32>
    %add3A_18 = arith.addf %add3A_15, %mul3A_17 : vector<512x1024xf32>
    %reduce_sum3A = arith.constant dense<0.000000e+00> : vector<512xf32>
    %reduce_sum3A_19 = vector.multi_reduction <add>, %add3A_18, %reduce_sum3A [1] : vector<512x1024xf32> to vector<512xf32>
    %broadcast_in_dim3A = vector.shape_cast %reduce_sum3A_19 : vector<512xf32> to vector<512x1xf32>
    %div3A = arith.constant 1.024000e+03 : f32
    %div3A_20 = vector.broadcast %div3A : f32 to vector<512x1xf32>
    %div3A_21 = arith.divf %broadcast_in_dim3A, %div3A_20 : vector<512x1xf32>
    %sub3A_22 = vector.broadcast %div3A_21 : vector<512x1xf32> to vector<512x1024xf32>
    %sub3A_23 = arith.subf %add3A_18, %sub3A_22 : vector<512x1024xf32>
    %mul3A_24 = arith.mulf %sub3A_23, %sub3A_23 : vector<512x1024xf32>
    %reduce_sum3A_25 = arith.constant dense<0.000000e+00> : vector<512xf32>
    %reduce_sum3A_26 = vector.multi_reduction <add>, %mul3A_24, %reduce_sum3A_25 [1] : vector<512x1024xf32> to vector<512xf32>
    %broadcast_in_dim3A_27 = vector.shape_cast %reduce_sum3A_26 : vector<512xf32> to vector<512x1xf32>
    %div3A_28 = arith.constant 1.024000e+03 : f32
    %div3A_29 = vector.broadcast %div3A_28 : f32 to vector<512x1xf32>
    %div3A_30 = arith.divf %broadcast_in_dim3A_27, %div3A_29 : vector<512x1xf32>
    %add3A_31 = arith.constant 9.99999996E-13 : f32
    %add3A_32 = vector.broadcast %add3A_31 : f32 to vector<512x1xf32>
    %add3A_33 = arith.addf %div3A_30, %add3A_32 : vector<512x1xf32>
    %rsqrt3A = math.rsqrt %add3A_33 : vector<512x1xf32>
    %mul3A_34 = vector.broadcast %rsqrt3A : vector<512x1xf32> to vector<512x1024xf32>
    %mul3A_35 = arith.mulf %sub3A_23, %mul3A_34 : vector<512x1024xf32>
    %get3A_36 = arith.constant 0 : index
    %get3A_37 = arith.constant 0 : index
    %get3A_38 = vector.load %arg6[%get3A_36, %get3A_37] : memref<1x1024xf32, #tpu.memory_space<vmem>>, vector<1x1024xf32>
    %mul3A_39 = vector.broadcast %get3A_38 : vector<1x1024xf32> to vector<512x1024xf32>
    %mul3A_40 = arith.mulf %mul3A_35, %mul3A_39 : vector<512x1024xf32>
    %get3A_41 = arith.constant 0 : index
    %get3A_42 = arith.constant 0 : index
    %get3A_43 = vector.load %arg7[%get3A_41, %get3A_42] : memref<1x1024xf32, #tpu.memory_space<vmem>>, vector<1x1024xf32>
    %add3A_44 = vector.broadcast %get3A_43 : vector<1x1024xf32> to vector<512x1024xf32>
    %add3A_45 = arith.addf %mul3A_40, %add3A_44 : vector<512x1024xf32>
    %swap3A = arith.constant 0 : index
    %swap3A_46 = arith.constant 0 : index
    %swap3A_47 = vector.load %arg9[%swap3A, %swap3A_46] : memref<512x1024xf32, #tpu.memory_space<vmem>>, vector<512x1024xf32>
    tpu.vector_store %arg9[%swap3A, %swap3A_46], %add3A_45 {strides = array<i32>} : memref<512x1024xf32, #tpu.memory_space<vmem>>, vector<512x1024xf32>,
    return
  }
  func.func @transform_0(%arg0: i32, %arg1: i32) -> (i32, i32) {
    %mul3A = arith.constant 3 : i32
    %mul3A_0 = arith.muli %arg1, %mul3A : i32
    %add3A = arith.addi %mul3A_0, %arg0 : i32
    %c0_i32 = arith.constant 0 : i32
    %c0_i32_1 = arith.constant 0 : i32
    return %add3A, %c0_i32 : i32, i32
  }
  func.func @transform_1(%arg0: i32, %arg1: i32) -> (i32, i32) {
    %mul3A = arith.constant 4 : i32
    %mul3A_0 = arith.muli %arg1, %mul3A : i32
    %add3A = arith.constant 1 : i32
    %add3A_1 = arith.addi %mul3A_0, %add3A : i32
    %add3A_2 = arith.addi %add3A_1, %arg0 : i32
    %c0_i32 = arith.constant 0 : i32
    %c0_i32_3 = arith.constant 0 : i32
    return %add3A_2, %c0_i32 : i32, i32
  }
  func.func @transform_2(%arg0: i32, %arg1: i32) -> (i32, i32) {
    %add3A = arith.constant 1 : i32
    %add3A_0 = arith.addi %add3A, %arg0 : i32
    %c0_i32 = arith.constant 0 : i32
    %c0_i32_1 = arith.constant 0 : i32
    return %add3A_0, %c0_i32 : i32, i32
  }
  func.func @transform_3(%arg0: i32, %arg1: i32) -> (i32, i32) {
    %c0_i32 = arith.constant 0 : i32
    %c0_i32_0 = arith.constant 0 : i32
    %c0_i32_1 = arith.constant 0 : i32
    return %c0_i32, %c0_i32_0 : i32, i32
  }
  func.func @transform_4(%arg0: i32, %arg1: i32) -> (i32, i32) {
    %c0_i32 = arith.constant 0 : i32
    %c0_i32_0 = arith.constant 0 : i32
    %c0_i32_1 = arith.constant 0 : i32
    return %c0_i32, %c0_i32_0 : i32, i32
  }
  func.func @transform_5(%arg0: i32, %arg1: i32) -> (i32, i32) {
    %c0_i32 = arith.constant 0 : i32
    %c0_i32_0 = arith.constant 0 : i32
    %c0_i32_1 = arith.constant 0 : i32
    return %c0_i32, %c0_i32_0 : i32, i32
  }
  func.func @transform_7(%arg0: i32, %arg1: i32) -> (i32, i32) {
    %mul3A = arith.constant 4 : i32
    %mul3A_0 = arith.muli %arg1, %mul3A : i32
    %add3A = arith.constant 1 : i32
    %add3A_1 = arith.addi %mul3A_0, %add3A : i32
    %add3A_2 = arith.addi %add3A_1, %arg0 : i32
    %c0_i32 = arith.constant 0 : i32
    %c0_i32_3 = arith.constant 0 : i32
    return %add3A_2, %c0_i32 : i32, i32
  }
}

module attributes {stable_mosaic.version = 14 : i64} {
  func.func @_ln_body_first(%arg0: i32, %arg1: i32, %arg2: memref<512x1024xf32, #tpu.memory_space<vmem>>, %arg3: memref<512x1xf32, #tpu.memory_space<vmem>>, %arg4: memref<512x1024xf32, #tpu.memory_space<vmem>>, %arg5: memref<2x1024xf32, #tpu.memory_space<vmem>>, %arg6: memref<1x1024xf32, #tpu.memory_space<vmem>>, %arg7: memref<1x1024xf32, #tpu.memory_space<vmem>>, %arg8: memref<512x1024xf32, #tpu.memory_space<vmem>>) attributes {dimension_semantics = [#tpu.dimension_semantics<arbitrary>, #tpu.dimension_semantics<arbitrary>], iteration_bounds = array<i64: 1, 4>, scalar_prefetch = 0 : i64, scratch_operands = 0 : i64, tpu.core_type = #tpu.core_type<tc>, window_params = [{transform_indices = @transform_0, window_bounds = array<i64: 512, 1024>}, {transform_indices = @transform_1, window_bounds = array<i64: 512, 1>}, {transform_indices = @transform_2, window_bounds = array<i64: 512, 1024>}, {pipeline_mode = #tpu.pipeline_mode<synchronous>, transform_indices = @transform_3, window_bounds = array<i64: 2, 1024>}, {pipeline_mode = #tpu.pipeline_mode<synchronous>, transform_indices = @transform_4, window_bounds = array<i64: 1, 1024>}, {pipeline_mode = #tpu.pipeline_mode<synchronous>, transform_indices = @transform_5, window_bounds = array<i64: 1, 1024>}, {transform_indices = @transform_6, window_bounds = array<i64: 512, 1024>}]} {
    %get3A = arith.constant 0 : index
    %get3A_0 = arith.constant 0 : index
    %get3A_1 = vector.load %arg5[%get3A, %get3A_0] : memref<2x1024xf32, #tpu.memory_space<vmem>>, vector<1x1024xf32>
    %get3A_2 = arith.constant 1 : index
    %get3A_3 = arith.constant 0 : index
    %get3A_4 = vector.load %arg5[%get3A_2, %get3A_3] : memref<2x1024xf32, #tpu.memory_space<vmem>>, vector<1x1024xf32>
    %sub3A = arith.subf %get3A_4, %get3A_1 : vector<1x1024xf32>
    %get3A_5 = arith.constant 0 : index
    %get3A_6 = arith.constant 0 : index
    %get3A_7 = vector.load %arg3[%get3A_5, %get3A_6] : memref<512x1xf32, #tpu.memory_space<vmem>>, vector<512x1xf32>
    %get3A_8 = arith.constant 0 : index
    %get3A_9 = arith.constant 0 : index
    %get3A_10 = vector.load %arg2[%get3A_8, %get3A_9] : memref<512x1024xf32, #tpu.memory_space<vmem>>, vector<512x1024xf32>
    %get3A_11 = arith.constant 0 : index
    %get3A_12 = arith.constant 0 : index
    %get3A_13 = vector.load %arg4[%get3A_11, %get3A_12] : memref<512x1024xf32, #tpu.memory_space<vmem>>, vector<512x1024xf32>
    %add3A = arith.addf %get3A_10, %get3A_13 : vector<512x1024xf32>
    %add3A_14 = vector.broadcast %get3A_1 : vector<1x1024xf32> to vector<512x1024xf32>
    %add3A_15 = arith.addf %add3A, %add3A_14 : vector<512x1024xf32>
    %mul3A = vector.broadcast %get3A_7 : vector<512x1xf32> to vector<512x1024xf32>
    %mul3A_16 = vector.broadcast %sub3A : vector<1x1024xf32> to vector<512x1024xf32>
    %mul3A_17 = arith.mulf %mul3A, %mul3A_16 : vector<512x1024xf32>
    %add3A_18 = arith.addf %add3A_15, %mul3A_17 : vector<512x1024xf32>
    %reduce_sum3A = arith.constant dense<0.000000e+00> : vector<512xf32>
    %reduce_sum3A_19 = vector.multi_reduction <add>, %add3A_18, %reduce_sum3A [1] : vector<512x1024xf32> to vector<512xf32>
    %broadcast_in_dim3A = vector.shape_cast %reduce_sum3A_19 : vector<512xf32> to vector<512x1xf32>
    %div3A = arith.constant 1.024000e+03 : f32
    %div3A_20 = vector.broadcast %div3A : f32 to vector<512x1xf32>
    %div3A_21 = arith.divf %broadcast_in_dim3A, %div3A_20 : vector<512x1xf32>
    %sub3A_22 = vector.broadcast %div3A_21 : vector<512x1xf32> to vector<512x1024xf32>
    %sub3A_23 = arith.subf %add3A_18, %sub3A_22 : vector<512x1024xf32>
    %mul3A_24 = arith.mulf %sub3A_23, %sub3A_23 : vector<512x1024xf32>
    %reduce_sum3A_25 = arith.constant dense<0.000000e+00> : vector<512xf32>
    %reduce_sum3A_26 = vector.multi_reduction <add>, %mul3A_24, %reduce_sum3A_25 [1] : vector<512x1024xf32> to vector<512xf32>
    %broadcast_in_dim3A_27 = vector.shape_cast %reduce_sum3A_26 : vector<512xf32> to vector<512x1xf32>
    %div3A_28 = arith.constant 1.024000e+03 : f32
    %div3A_29 = vector.broadcast %div3A_28 : f32 to vector<512x1xf32>
    %div3A_30 = arith.divf %broadcast_in_dim3A_27, %div3A_29 : vector<512x1xf32>
    %add3A_31 = arith.constant 9.99999996E-13 : f32
    %add3A_32 = vector.broadcast %add3A_31 : f32 to vector<512x1xf32>
    %add3A_33 = arith.addf %div3A_30, %add3A_32 : vector<512x1xf32>
    %rsqrt3A = math.rsqrt %add3A_33 : vector<512x1xf32>
    %mul3A_34 = vector.broadcast %rsqrt3A : vector<512x1xf32> to vector<512x1024xf32>
    %mul3A_35 = arith.mulf %sub3A_23, %mul3A_34 : vector<512x1024xf32>
    %get3A_36 = arith.constant 0 : index
    %get3A_37 = arith.constant 0 : index
    %get3A_38 = vector.load %arg6[%get3A_36, %get3A_37] : memref<1x1024xf32, #tpu.memory_space<vmem>>, vector<1x1024xf32>
    %mul3A_39 = vector.broadcast %get3A_38 : vector<1x1024xf32> to vector<512x1024xf32>
    %mul3A_40 = arith.mulf %mul3A_35, %mul3A_39 : vector<512x1024xf32>
    %get3A_41 = arith.constant 0 : index
    %get3A_42 = arith.constant 0 : index
    %get3A_43 = vector.load %arg7[%get3A_41, %get3A_42] : memref<1x1024xf32, #tpu.memory_space<vmem>>, vector<1x1024xf32>
    %add3A_44 = vector.broadcast %get3A_43 : vector<1x1024xf32> to vector<512x1024xf32>
    %add3A_45 = arith.addf %mul3A_40, %add3A_44 : vector<512x1024xf32>
    %swap3A = arith.constant 0 : index
    %swap3A_46 = arith.constant 0 : index
    %swap3A_47 = vector.load %arg8[%swap3A, %swap3A_46] : memref<512x1024xf32, #tpu.memory_space<vmem>>, vector<512x1024xf32>
    tpu.vector_store %arg8[%swap3A, %swap3A_46], %add3A_45 {strides = array<i32>} : memref<512x1024xf32, #tpu.memory_space<vmem>>, vector<512x1024xf32>,
    return
  }
  func.func @transform_0(%arg0: i32, %arg1: i32) -> (i32, i32) {
    %mul3A = arith.constant 1 : i32
    %mul3A_0 = arith.muli %arg1, %mul3A : i32
    %add3A = arith.addi %mul3A_0, %arg0 : i32
    %c0_i32 = arith.constant 0 : i32
    %c0_i32_1 = arith.constant 0 : i32
    return %add3A, %c0_i32 : i32, i32
  }
  func.func @transform_1(%arg0: i32, %arg1: i32) -> (i32, i32) {
    %mul3A = arith.constant 4 : i32
    %mul3A_0 = arith.muli %arg1, %mul3A : i32
    %add3A = arith.constant 0 : i32
    %add3A_1 = arith.addi %mul3A_0, %add3A : i32
    %add3A_2 = arith.addi %add3A_1, %arg0 : i32
    %c0_i32 = arith.constant 0 : i32
    %c0_i32_3 = arith.constant 0 : i32
    return %add3A_2, %c0_i32 : i32, i32
  }
  func.func @transform_2(%arg0: i32, %arg1: i32) -> (i32, i32) {
    %add3A = arith.constant 0 : i32
    %add3A_0 = arith.addi %add3A, %arg0 : i32
    %c0_i32 = arith.constant 0 : i32
    %c0_i32_1 = arith.constant 0 : i32
    return %add3A_0, %c0_i32 : i32, i32
  }
  func.func @transform_3(%arg0: i32, %arg1: i32) -> (i32, i32) {
    %c0_i32 = arith.constant 0 : i32
    %c0_i32_0 = arith.constant 0 : i32
    %c0_i32_1 = arith.constant 0 : i32
    return %c0_i32, %c0_i32_0 : i32, i32
  }
  func.func @transform_4(%arg0: i32, %arg1: i32) -> (i32, i32) {
    %c0_i32 = arith.constant 0 : i32
    %c0_i32_0 = arith.constant 0 : i32
    %c0_i32_1 = arith.constant 0 : i32
    return %c0_i32, %c0_i32_0 : i32, i32
  }
  func.func @transform_5(%arg0: i32, %arg1: i32) -> (i32, i32) {
    %c0_i32 = arith.constant 0 : i32
    %c0_i32_0 = arith.constant 0 : i32
    %c0_i32_1 = arith.constant 0 : i32
    return %c0_i32, %c0_i32_0 : i32, i32
  }
  func.func @transform_6(%arg0: i32, %arg1: i32) -> (i32, i32) {
    %mul3A = arith.constant 4 : i32
    %mul3A_0 = arith.muli %arg1, %mul3A : i32
    %add3A = arith.constant 0 : i32
    %add3A_1 = arith.addi %mul3A_0, %add3A : i32
    %add3A_2 = arith.addi %add3A_1, %arg0 : i32
    %c0_i32 = arith.constant 0 : i32
    %c0_i32_3 = arith.constant 0 : i32
    return %add3A_2, %c0_i32 : i32, i32
  }
}

</mosaic_0001>

<sc_bundles>
// kernel: kernel.6.cloned.1.call-start
scs
__scs_entry_jumppad:
0x0: {  	(pc) =	sbr.rel $0x88, $3  }
0x1: {  	(tag) =	ssettag $0x0;
	lr =	simm.s32 $0x1  }
0x2: {  	[smem:$0x3F9A] =	sst lr;
	_ =	strace $0xD0000000  }
0x3: {  	_ = 	snop  }
0x4: {  	_ = 	snop  }
0x5: {  	_ = 	snop  }
0x6: {  	_ = 	snop  }
0x7: {  	_ = 	snop  }
__scs_overlays_trampoline_lowered:
0x8: {  	[smem:$0x3FA9] =	sst s0  }
0x9: {  	[smem:$0x3FAA] =	sst s1  }
0xa: {  	[smem:$0x3FAB] =	sst s2  }
0xb: {  	[smem:$0x3FAC] =	sst s3  }
0xc: {  	[smem:$0x3FAD] =	sst s4  }
0xd: {  	[smem:$0x3FAE] =	sst s5  }
0xe: {  	[smem:$0x3FAF] =	sst s6  }
0xf: {  	[smem:$0x3FB0] =	sst s7  }
0x10: {  	[smem:$0x3FB1] =	sst s8  }
0x11: {  	[smem:$0x3FB2] =	sst s9;
	s0 =	simm.s32 @!p0 $0x0  }
0x12: {  	s1 =	sld [smem:$0x3F98];
	s0 =	simm.s32 @p0 $0x1  }
0x13: {  	[smem:$0x3FB3] =	sst s0;
	s0 =	simm.s32 @!p1 $0x0  }
0x14: {  	s2 =	sld [smem:$0x3F97];
	s0 =	simm.s32 @p1 $0x1  }
0x15: {  	[smem:$0x3FB4] =	sst s0;
	s0 =	simm.s32 @!p2 $0x0  }
0x16: {  	s3 =	sld [smem:$0x3FDB];
	s0 =	simm.s32 @p2 $0x1  }
0x17: {  	s4 =	simm.s32 $0x1BF5;
	[smem:$0x3FB6] =	sst s0  }
0x18: {  	s0 =	sld [smem:$0x3F99];
	_ =	swait.ge [sflag:s4], $0x0  }
0x19: {  	s7 =	sld [smem:$0x3F9A]  }
0x1a: {  	s8 =	sadd.s32 $0xFFFFE003, lr  }
0x1b: {  	s9 =	sadd.s32 $0xFFFFFEF7, lr;
	s5 =	simm.s32 $0xFFFFFFFF;
	p2 =	slt.u32 s8, $0xFFFFF086  }
0x1c: {  	p1 =	slt.u32 s9, $0xF7A;
	s5 =	simm.s32 @!p2 $0x0  }
0x1d: {  	s5 =	simm.s32 @p1 $0x1;
	p0 =	seq.s32 s7, s2  }
0x1e: {  	s7 =	smul.u32 @!p0 $0xF7A, s2;
	p2 =	seq.s32 @!p0 s5, $0x0  }
0x1f: {  	s9 =	smul.u32 $0xF7A, s1;
	s8 =	simm.s32 @!p0 $0x1BF5;
	p2 =	por !p2, p0  }
0x20: {  	[sflag:s8] =	ssyncset.s32 @!p0 $0xFFFFF086;
	s6 =	sadd.s32 @!p0 s3, s7;
	s7 =	simm.s32 @!p0 $0x108  }
0x21: {  	s3 =	sadd.s32 s3, s9;
	s6 =	sadd.s32 @!p0 $0x88, s6;
	s7 =	simm.s32 @p2 $0x1082  }
0x22: {  	[simem:s7], [sflag:s8] =	dma.local @!p0 [hbm:s6], $0xF7A  }
0x23: {  	s9 =	sor.u32 $0xD0000000, s2;
	s6 =	simm.s32 $0x108;
	_ =	swait.ge @!p0 [sflag:s8], $0x0  }
0x24: {  	s3 =	sadd.s32 $0x88, s3;
	s6 =	simm.s32 @!p1 $0x1082;
	[sflag:s4] =	ssyncset.s32 $0xFFFFF086  }
0x25: {  	[simem:s6], [sflag:s4] =	dma.local [hbm:s3], $0xF7A  }
0x26: {  	[smem:$0x3F9A] =	sst s1;
	(tag) =	ssettag s2;
	_ =	strace s9  }
0x27: {  	s1 =	sld [smem:$0x3FAA]  }
0x28: {  	s2 =	sld [smem:$0x3FAB]  }
0x29: {  	s4 =	sld [smem:$0x3FAD]  }
0x2a: {  	p0 =	seq.s32 s5, $0x0;
	s5 =	sld [smem:$0x3FAE]  }
0x2b: {  	s6 =	sld [smem:$0x3FAF]  }
0x2c: {  	s7 =	sld [smem:$0x3FB0]  }
0x2d: {  	s3 =	simm.s32 $0x108;
	s8 =	sld [smem:$0x3FB1]  }
0x2e: {  	s3 =	simm.s32 @!p0 $0x1082;
	s9 =	sld [smem:$0x3FB2]  }
0x2f: {  	lr =	sadd.s32 s0, s3;
	s0 =	sld [smem:$0x3FA9]  }
0x30: {  	s3 =	sld [smem:$0x3FAC]  }
0x31: {  	[smem:$0x3FB5] =	sst s10  }
0x32: {  	s10 =	sld [smem:$0x3FB3];
	_ =	sdelay $0x3  }
0x33: {  	p0 =	seq.s32 s10, $0x1;
	s10 =	sld [smem:$0x3FB5];
	_ =	sdelay $0x3  }
0x34: {  	[smem:$0x3FB5] =	sst s10  }
0x35: {  	s10 =	sld [smem:$0x3FB4];
	_ =	sdelay $0x3  }
0x36: {  	p1 =	seq.s32 s10, $0x1;
	s10 =	sld [smem:$0x3FB5];
	_ =	sdelay $0x3  }
0x37: {  	[smem:$0x3FB5] =	sst s10  }
0x38: {  	s10 =	sld [smem:$0x3FB6]  }
0x39: {  	_ = 	snop;
	(pc) =	sbr.ind lr, $3  }
0x3a: {  	_ = 	snop  }
0x3b: {  	_ = 	snop  }
0x3c: {  	p2 =	seq.s32 s10, $0x1;
	s10 =	sld [smem:$0x3FB5]  }
0x3d: {  	_ =	shalt  }
0x3e: {  	_ =	shalt  }
0x3f: {  	_ =	shalt  }
0x40: {  	_ =	shalt  }
0x41: {  	_ =	shalt  }
0x42: {  	_ =	shalt  }
0x43: {  	_ =	shalt  }
0x44: {  	_ =	shalt  }
0x45: {  	_ =	shalt  }
0x46: {  	_ =	shalt  }
0x47: {  	_ =	shalt  }
0x48: {  	_ =	shalt  }
0x49: {  	_ =	shalt  }
0x4a: {  	_ =	shalt  }
0x4b: {  	_ =	shalt  }
0x4c: {  	_ =	shalt  }
0x4d: {  	_ =	shalt  }
0x4e: {  	_ =	shalt  }
0x4f: {  	_ =	shalt  }
0x50: {  	_ =	shalt  }
0x51: {  	_ =	shalt  }
0x52: {  	_ =	shalt  }
0x53: {  	_ =	shalt  }
0x54: {  	_ =	shalt  }
0x55: {  	_ =	shalt  }
0x56: {  	_ =	shalt  }
0x57: {  	_ =	shalt  }
0x58: {  	_ =	shalt  }
0x59: {  	_ =	shalt  }
0x5a: {  	_ =	shalt  }
0x5b: {  	_ =	shalt  }
0x5c: {  	_ =	shalt  }
0x5d: {  	_ =	shalt  }
0x5e: {  	_ =	shalt  }
0x5f: {  	_ =	shalt  }
0x60: {  	_ =	shalt  }
0x61: {  	_ =	shalt  }
0x62: {  	_ =	shalt  }
0x63: {  	_ =	shalt  }
0x64: {  	_ =	shalt  }
0x65: {  	_ =	shalt  }
0x66: {  	_ =	shalt  }
0x67: {  	_ =	shalt  }
0x68: {  	_ =	shalt  }
0x69: {  	_ =	shalt  }
0x6a: {  	_ =	shalt  }
0x6b: {  	_ =	shalt  }
0x6c: {  	_ =	shalt  }
0x6d: {  	_ =	shalt  }
0x6e: {  	_ =	shalt  }
0x6f: {  	_ =	shalt  }
0x70: {  	_ =	shalt  }
0x71: {  	_ =	shalt  }
0x72: {  	_ =	shalt  }
0x73: {  	_ =	shalt  }
0x74: {  	_ =	shalt  }
0x75: {  	_ =	shalt  }
0x76: {  	_ =	shalt  }
0x77: {  	_ =	shalt  }
0x78: {  	_ =	shalt  }
0x79: {  	_ =	shalt  }
0x7a: {  	_ =	shalt  }
0x7b: {  	_ =	shalt  }
0x7c: {  	_ =	shalt  }
0x7d: {  	_ =	shalt  }
0x7e: {  	_ =	shalt  }
0x7f: {  	_ =	shalt  }
0x80: {  	_ =	shalt  }
0x81: {  	_ =	shalt  }
0x82: {  	_ =	shalt  }
0x83: {  	_ =	shalt  }
0x84: {  	_ =	shalt  }
0x85: {  	_ =	shalt  }
0x86: {  	_ =	shalt  }
0x87: {  	_ =	shalt  }
.Lfunc_end0:
.L_simem_size_0:
called_computation_lowered:
.L_overlay_start_0:
0x88: {  	s2 =	sld [smem:$0x3FD9]  }
0x89: {  	s3 =	sld [smem:$0x3FFE];
	_ =	sdelay $0x1  }
0x8a: {  	s1 =	srdreg.scid  }
0x8b: {  	s0 =	sand.u32 $0x1, s1  }
0x8c: {  	s17 =	sshll.u32 s0, $0xA;
	s2 =	sadd.s32 s3, s2  }
0x8d: {  	s2 =	sadd.s32 s2, s17  }
0x8e: {  	[smem:$0x3FC1] =	sst s2  }
0x8f: {  	_ = 	snop  }
0x90: {  	s2 =	sld [smem:$0x3FC7]  }
0x91: {  	s18 =	sld [smem:$0x3FD0];
	(tm) =	ssettm $0x1  }
0x92: {  	s4 =	sld [smem:$0x3FFB];
	_ =	sdelay $0x3  }
0x93: {  	_ =	strace s4  }
0x94: {  	s4 =	sld [smem:$0x3FFC];
	_ =	sdelay $0x3  }
0x95: {  	_ =	strace s4  }
0x96: {  	s4 =	sld [smem:$0x3FFD];
	_ =	sdelay $0x3  }
0x97: {  	_ =	strace s4  }
0x98: {  	_ =	strace $0x8FFFFFFF  }
0x99: {  	s19 =	sld [smem:$0x3FDB];
	_ =	sdelay $0x1  }
0x9a: {  	s5 =	simm.s32 $_scs_section_size  }
0x9b: {  	s6 =	simm.s32 $_size__tile_overlayer_lowered;
	s7 =	simm.s32 $_tile_overlayer_lowered  }
0x9c: {  	s22 =	simm.s32 $0x1BFF;
	s21 =	sshll.u32 s7, $0x1;
	s4 =	sadd.s32 s5, s19  }
0x9d: {  	s8 =	simm.s32 $0x0;
	s20 =	sshll.u32 s6, $0x1;
	s6 =	sadd.s32 s21, s4  }
0x9e: {  	[timem:s8], [sflag:s22] =	dma.local [hbm:s6], s20  }
0x9f: {  	_ =	swait.ge [sflag:s22], s20  }
0xa0: {  	s5 =	ssub.s32 $0x0, s20;
	[sflag:s22] =	ssyncset.done $0x0  }
0xa1: {  	[sflag:s22] =	ssyncadd.s32 s5;
	_ =	sdelay $0x1  }
0xa2: {  	s23 =	simm.s32 $0x1B8B  }
0xa3: {  	_ =	swait.ge [sflag:s23], $0x1  }
0xa4: {  	[sflag:s23] =	ssyncset.done $0x0  }
0xa5: {  	s25 =	simm.s32 $0x1B8E;
	s24 =	sld [smem:$0x3FFE];
	[sflag:s23] =	ssyncadd.s32 $0xFFFFFFFF  }
0xa6: {  	s26 =	simm.s32 $execute0_lowered;
	[smem:$0x3FD2] =	sst s25  }
0xa7: {  	s6 =	sshll.u32 s26, $0x1;
	_ =	strace $0x80000046;
	[dreg:$0x1] =	wrdreg $0xFFFFFFFF  }
0xa8: {  	s28 =	simm.s32 $_size_execute0_lowered;
	s4 =	sadd.s32 s4, s6;
	[dreg:$0x0] =	wrdreg $0x0  }
0xa9: {  	s6 =	sshll.u32 s28, $0x1;
	[dreg:$0x2] =	wrdreg s4  }
0xaa: {  	[dreg:$0x3] =	wrdreg s6  }
0xab: {  	[dreg:$0x4] =	wrdreg $0xC0  }
0xac: {  	_ =	task [dreg:s8], $0x5FFFF  }
0xad: {  	[dreg:$0x1] =	wrdreg $0xFFFFFFFF  }
0xae: {  	[dreg:$0x0] =	wrdreg $0x60  }
0xaf: {  	[dreg:$0x2] =	wrdreg s2  }
0xb0: {  	[dreg:$0x3] =	wrdreg s24  }
0xb1: {  	[dreg:$0x4] =	wrdreg s18  }
0xb2: {  	[dreg:$0x5] =	wrdreg $0x9  }
0xb3: {  	_ =	task.clear_ibuf [dreg:s8], $0x6FFFF;
	_ =	strace $0x90000046  }
0xb4: {  	s29 =	simm.s32 $0x9;
	_ =	strace $0x80000048  }
0xb5: {  	_ =	swait.ge [sflag:s29], $0x1  }
0xb6: {  	[sflag:s29] =	ssyncadd.s32 $0xFFFFFFFF  }
0xb7: {  	_ =	strace $0x90000048  }
0xb8: {  	_ =	sfence  }
0xb9: {  	s30 =	sld [smem:$0x0];
	_ =	sdelay $0x2  }
0xba: {  	s31 =	sshll.u32 s1, $0xD;
	s1 =	sshrl.u32 s1, $0x2  }
0xbb: {  	s3 =	sand.u32 $0x4000, s31;
	s1 =	sadd.s32 s1, s30  }
0xbc: {  	s0 =	sor.u32 s3, s0;
	s1 =	sshll.u32 s1, $0x11  }
0xbd: {  	s0 =	sor.u32 s1, s0  }
0xbe: {  	s0 =	sadd.s32 $0x8F2B, s0  }
0xbf: {  	[sflag:s0] =	ssyncadd.remote.s32 $0x1  }
0xc0: {  	_ =	sfence.sel $0xFFFF  }
0xc1: {  	[dreg:$0x0] =	wrdreg $0xFFFFFFFF;
	(pc) =	sbr.abs _section_cstart, $3  }
0xc2: {  	[dreg:$0x1] =	wrdreg $0xFFFFFFFF  }
0xc3: {  	_ =	task.clear_ibuf [dreg:s8], $0x2FFFF;
	_ =	strace $0x9FFFFFFF  }
0xc4: {  	(tm) =	ssettm $0x7FFFFFFF  }
0xc5: {  	_ =	shalt  }
tec
execute0_lowered:
.L_overlay_start_1:
0x0: {  	(tag) =	ssettag $0x1  }
0x1: {  	s1 =	srdreg.scid;
	s5 =	rddreg [dreg:$0x1]  }
0x2: {  	s0 =	stileid.u32;
	s6 =	rddreg [dreg:$0x2];
	s2 =	sand.u32 $0x1, s1  }
0x3: {  	s14 =	simm.s32 $0x880;
	s3 =	sshll.u32 s0, $0x7;
	s4 =	sshll.u32 s2, $0x6  }
0x4: {  	s15 =	simm.s32 $0x1080;
	s12 =	sshll.u32 s0, $0x9;
	s4 =	sor.u32 s4, s3  }
0x5: {  	s1 =	rddreg [dreg:$0x0];
	s3 =	sor.u32 s12, s4;
	s4 =	sshll.u32 s4, $0x7  }
0x6: {  	s7 =	sand.u32 $0x19C0, s3;
	s3 =	simm.s32 $0x0;
	s4 =	sadd.s32 s6, s4  }
0x7: {  	s16 =	simm.s32 $0x1880;
	[smem:$0x7FF] =	sst s3;
	s13 =	sadd.s32 $0x1000, s4  }
0x8: {  	s17 =	simm.s32 $0x2080;
	_ =	strace $0x80000047;
	[dreg:$0x5] =	wrdreg s13  }
0x9: {  	s18 =	simm.s32 $0x2880;
	s19 =	simm.s32 $0x3080;
	[dreg:$0x6] =	wrdreg s14  }
0xa: {  	s20 =	simm.s32 $0x3880;
	s21 =	simm.s32 $0x4080;
	[dreg:$0x7] =	wrdreg s15  }
0xb: {  	s23 =	simm.s32 $0x4880;
	s24 =	simm.s32 $0x5080;
	[dreg:$0x8] =	wrdreg s16  }
0xc: {  	s25 =	simm.s32 $0x5880;
	s8 =	simm.s32 $0x6080;
	[dreg:$0x9] =	wrdreg s17  }
0xd: {  	s9 =	simm.s32 $0x6880;
	s26 =	simm.s32 $0x7080;
	[dreg:$0xa] =	wrdreg s18  }
0xe: {  	s10 =	simm.s32 $0x80;
	s28 =	simm.s32 $0xF880;
	[dreg:$0xb] =	wrdreg s19  }
0xf: {  	s29 =	simm.s32 $0x1;
	s2 =	ssub.s32 $0x2, s2;
	[dreg:$0xc] =	wrdreg s20  }
0x10: {  	s30 =	simm.s32 $0x2;
	s22 =	sshrl.u32 s2, $0x1;
	[dreg:$0xd] =	wrdreg s21  }
0x11: {  	s31 =	simm.s32 $0x3;
	s2 =	ssub.s32 s2, s22;
	[dreg:$0xe] =	wrdreg s23  }
0x12: {  	s12 =	simm.s32 $0x8080;
	s22 =	simm.s32 $0xD080;
	[dreg:$0xf] =	wrdreg s24  }
0x13: {  	s6 =	sadd.s32 $0x200, s1;
	s7 =	sshrl.u32 s7, $0x3;
	[dreg:$0x10] =	wrdreg s25  }
0x14: {  	s5 =	sadd.s32 s7, s5;
	s7 =	sadd.s32 $0x300, s1;
	[dreg:$0x11] =	wrdreg s8  }
0x15: {  	s8 =	smax.u32 s2, $0x1;
	[dreg:$0x12] =	wrdreg s9;
	s9 =	simm.s32 $0x5  }
0x16: {  	[dreg:$0x13] =	wrdreg s26;
	s13 =	simm.s32 $0x8880;
	s14 =	simm.s32 $0x9080  }
0x17: {  	s15 =	simm.s32 $0x9880;
	s16 =	simm.s32 $0xA080;
	s17 =	simm.s32 $0xA880  }
0x18: {  	s18 =	simm.s32 $0xB080;
	s19 =	simm.s32 $0xB880;
	s20 =	simm.s32 $0xC080  }
0x19: {  	v2 =	vlaneseq.u32;
	s21 =	simm.s32 $0xC880;
	s23 =	simm.s32 $0xD880;
	s24 =	simm.s32 $0xE080  }
0x1a: {  	vm0 =	vmmov $0xffff;
	v1 =	vshrl.u32 v2, $0x3;
	s25 =	simm.s32 $0xE880;
	s26 =	simm.s32 $0xF080;
	s5 =	sadd.s32 $0x1600, s5  }
0x1b: {  	v0 =	vand.u32 $0x7, v2;
	v2 =	vor.u32 $0x8, v2;
	v1 =	vmul.u32 $0x8, v1;
	s2 =	simm.s32 $0x4;
	[dreg:$0x4] =	wrdreg s5;
	s5 =	sadd.s32 $0x100, s1  }
.LBB2_1:
0x1c: {  	s0 =	rddreg [dreg:$0x4]  }
0x1d: {  	[tilespmem:s3], [sflag:$0x5] =	stream.linear.gather [hbm4b:s0+s3], $0x40, $0x38;
	[tilespmem:$0x10080] =	vst v63  }
0x1e: {  	_ =	swait.ge [sflag:s9], $0x40  }
0x1f: {  	[sflag:s9] =	ssyncset.done $0x0  }
0x20: {  	[sflag:s9] =	ssyncadd.s32 $0xFFFFFFC0  }
0x21: {  	v3 =	vld [tilespmem:$0x0];
	_ =	sdelay $0x4  }
0x22: {  	v4 =	vshll.u32 v3, $0x3  }
0x23: {  	v3 =	vand.u32 $0x7, v3;
	v4 =	vand.u32 $0xFFFFFFC0, v4  }
0x24: {  	v3 =	vor.u32 v3, v4  }
0x25: {  	v4 =	vperm.xlane v3, v0;
	_ =	sdelay $0x1  }
0x26: {  	v4 =	vadd.s32 v1, v4;
	_ =	sdelay $0x4  }
0x27: {  	[tilespmem:s10], [sflag:$0x1] =	stream.indirect_vreg.gather [hbm4b:s1+s3], $0x80, v4, vm0, $0xb8;
	[tilespmem:$0x10080] =	vst v63  }
0x28: {  	s0 =	rddreg [dreg:$0x6];
	v3 =	vperm.xlane v3, v2  }
0x29: {  	[tilespmem:s0], [sflag:$0x1] =	stream.indirect_vreg.gather [hbm4b:s5+s3], $0x80, v4, vm0, $0xb8;
	[tilespmem:$0x10080] =	vst v63  }
0x2a: {  	s11 =	rddreg [dreg:$0x7];
	v3 =	vadd.s32 v1, v3  }
0x2b: {  	[tilespmem:s11], [sflag:$0x1] =	stream.indirect_vreg.gather [hbm4b:s6+s3], $0x80, v4, vm0, $0xb8;
	[tilespmem:$0x10080] =	vst v63  }
0x2c: {  	s0 =	rddreg [dreg:$0x8]  }
0x2d: {  	[tilespmem:s0], [sflag:$0x1] =	stream.indirect_vreg.gather [hbm4b:s7+s3], $0x80, v4, vm0, $0xb8;
	[tilespmem:$0x10080] =	vst v63  }
0x2e: {  	s11 =	rddreg [dreg:$0x9]  }
0x2f: {  	[tilespmem:s11], [sflag:$0x1] =	stream.indirect_vreg.gather [hbm4b:s1+s3], $0x80, v3, vm0, $0xb8;
	[tilespmem:$0x10080] =	vst v63  }
0x30: {  	s0 =	rddreg [dreg:$0xa]  }
0x31: {  	[tilespmem:s0], [sflag:$0x1] =	stream.indirect_vreg.gather [hbm4b:s5+s3], $0x80, v3, vm0, $0xb8;
	[tilespmem:$0x10080] =	vst v63  }
0x32: {  	s11 =	rddreg [dreg:$0xb]  }
0x33: {  	[tilespmem:s11], [sflag:$0x1] =	stream.indirect_vreg.gather [hbm4b:s6+s3], $0x80, v3, vm0, $0xb8;
	[tilespmem:$0x10080] =	vst v63  }
0x34: {  	s0 =	rddreg [dreg:$0xc]  }
0x35: {  	[tilespmem:s0], [sflag:$0x1] =	stream.indirect_vreg.gather [hbm4b:s7+s3], $0x80, v3, vm0, $0xb8;
	[tilespmem:$0x10080] =	vst v63  }
0x36: {  	v3 =	vld [tilespmem:$0x10];
	_ =	sdelay $0x4  }
0x37: {  	v61 =	vshll.u32 v3, $0x3  }
0x38: {  	v3 =	vand.u32 $0x7, v3;
	v4 =	vand.u32 $0xFFFFFFC0, v61  }
0x39: {  	v3 =	vor.u32 v3, v4  }
0x3a: {  	v4 =	vperm.xlane v3, v0;
	_ =	sdelay $0x1  }
0x3b: {  	v4 =	vadd.s32 v1, v4;
	_ =	sdelay $0x3  }
0x3c: {  	s0 =	rddreg [dreg:$0xd]  }
0x3d: {  	[tilespmem:s0], [sflag:$0x1] =	stream.indirect_vreg.gather [hbm4b:s1+s3], $0x80, v4, vm0, $0xb8;
	[tilespmem:$0x10080] =	vst v63  }
0x3e: {  	s11 =	rddreg [dreg:$0xe];
	v3 =	vperm.xlane v3, v2  }
0x3f: {  	[tilespmem:s11], [sflag:$0x1] =	stream.indirect_vreg.gather [hbm4b:s5+s3], $0x80, v4, vm0, $0xb8;
	[tilespmem:$0x10080] =	vst v63  }
0x40: {  	v3 =	vadd.s32 v1, v3;
	s0 =	rddreg [dreg:$0xf]  }
0x41: {  	[tilespmem:s0], [sflag:$0x1] =	stream.indirect_vreg.gather [hbm4b:s6+s3], $0x80, v4, vm0, $0xb8;
	[tilespmem:$0x10080] =	vst v63  }
0x42: {  	s11 =	rddreg [dreg:$0x10]  }
0x43: {  	[tilespmem:s11], [sflag:$0x1] =	stream.indirect_vreg.gather [hbm4b:s7+s3], $0x80, v4, vm0, $0xb8;
	[tilespmem:$0x10080] =	vst v63  }
0x44: {  	s0 =	rddreg [dreg:$0x11]  }
0x45: {  	[tilespmem:s0], [sflag:$0x1] =	stream.indirect_vreg.gather [hbm4b:s1+s3], $0x80, v3, vm0, $0xb8;
	[tilespmem:$0x10080] =	vst v63  }
0x46: {  	s11 =	rddreg [dreg:$0x12]  }
0x47: {  	[tilespmem:s11], [sflag:$0x1] =	stream.indirect_vreg.gather [hbm4b:s5+s3], $0x80, v3, vm0, $0xb8;
	[tilespmem:$0x10080] =	vst v63  }
0x48: {  	s0 =	rddreg [dreg:$0x13]  }
0x49: {  	[tilespmem:s0], [sflag:$0x1] =	stream.indirect_vreg.gather [hbm4b:s6+s3], $0x80, v3, vm0, $0xb8;
	[tilespmem:$0x10080] =	vst v63  }
0x4a: {  	s11 =	simm.s32 $0x7880  }
0x4b: {  	[tilespmem:s11], [sflag:$0x1] =	stream.indirect_vreg.gather [hbm4b:s7+s3], $0x80, v3, vm0, $0xb8;
	[tilespmem:$0x10080] =	vst v63  }
0x4c: {  	v3 =	vld [tilespmem:$0x20];
	_ =	sdelay $0x4  }
0x4d: {  	v62 =	vshll.u32 v3, $0x3  }
0x4e: {  	v3 =	vand.u32 $0x7, v3;
	v4 =	vand.u32 $0xFFFFFFC0, v62  }
0x4f: {  	v3 =	vor.u32 v3, v4  }
0x50: {  	v4 =	vperm.xlane v3, v0;
	_ =	sdelay $0x1  }
0x51: {  	v4 =	vadd.s32 v1, v4;
	_ =	sdelay $0x4  }
0x52: {  	[tilespmem:s12], [sflag:$0x2] =	stream.indirect_vreg.gather [hbm4b:s1+s3], $0x80, v4, vm0, $0xb8;
	[tilespmem:$0x10080] =	vst v63  }
0x53: {  	v3 =	vperm.xlane v3, v2  }
0x54: {  	[tilespmem:s13], [sflag:$0x2] =	stream.indirect_vreg.gather [hbm4b:s5+s3], $0x80, v4, vm0, $0xb8;
	[tilespmem:$0x10080] =	vst v63  }
0x55: {  	v3 =	vadd.s32 v1, v3  }
0x56: {  	[tilespmem:s14], [sflag:$0x2] =	stream.indirect_vreg.gather [hbm4b:s6+s3], $0x80, v4, vm0, $0xb8;
	[tilespmem:$0x10080] =	vst v63  }
0x57: {  	_ = 	snop  }
0x58: {  	[tilespmem:s15], [sflag:$0x2] =	stream.indirect_vreg.gather [hbm4b:s7+s3], $0x80, v4, vm0, $0xb8;
	[tilespmem:$0x10080] =	vst v63  }
0x59: {  	_ = 	snop  }
0x5a: {  	[tilespmem:s16], [sflag:$0x2] =	stream.indirect_vreg.gather [hbm4b:s1+s3], $0x80, v3, vm0, $0xb8;
	[tilespmem:$0x10080] =	vst v63  }
0x5b: {  	_ = 	snop  }
0x5c: {  	[tilespmem:s17], [sflag:$0x2] =	stream.indirect_vreg.gather [hbm4b:s5+s3], $0x80, v3, vm0, $0xb8;
	[tilespmem:$0x10080] =	vst v63  }
0x5d: {  	_ = 	snop  }
0x5e: {  	[tilespmem:s18], [sflag:$0x2] =	stream.indirect_vreg.gather [hbm4b:s6+s3], $0x80, v3, vm0, $0xb8;
	[tilespmem:$0x10080] =	vst v63  }
0x5f: {  	_ = 	snop  }
0x60: {  	[tilespmem:s19], [sflag:$0x2] =	stream.indirect_vreg.gather [hbm4b:s7+s3], $0x80, v3, vm0, $0xb8;
	[tilespmem:$0x10080] =	vst v63  }
0x61: {  	v3 =	vld [tilespmem:$0x30];
	_ =	sdelay $0x4  }
0x62: {  	v63 =	vshll.u32 v3, $0x3  }
0x63: {  	v3 =	vand.u32 $0x7, v3;
	v4 =	vand.u32 $0xFFFFFFC0, v63  }
0x64: {  	v3 =	vor.u32 v3, v4  }
0x65: {  	v4 =	vperm.xlane v3, v0;
	_ =	sdelay $0x1  }
0x66: {  	v4 =	vadd.s32 v1, v4;
	_ =	sdelay $0x4  }
0x67: {  	[tilespmem:s20], [sflag:$0x2] =	stream.indirect_vreg.gather [hbm4b:s1+s3], $0x80, v4, vm0, $0xb8;
	[tilespmem:$0x10080] =	vst v63  }
0x68: {  	v3 =	vperm.xlane v3, v2  }
0x69: {  	[tilespmem:s21], [sflag:$0x2] =	stream.indirect_vreg.gather [hbm4b:s5+s3], $0x80, v4, vm0, $0xb8;
	[tilespmem:$0x10080] =	vst v63  }
0x6a: {  	v3 =	vadd.s32 v1, v3  }
0x6b: {  	[tilespmem:s22], [sflag:$0x2] =	stream.indirect_vreg.gather [hbm4b:s6+s3], $0x80, v4, vm0, $0xb8;
	[tilespmem:$0x10080] =	vst v63  }
0x6c: {  	_ = 	snop  }
0x6d: {  	[tilespmem:s23], [sflag:$0x2] =	stream.indirect_vreg.gather [hbm4b:s7+s3], $0x80, v4, vm0, $0xb8;
	[tilespmem:$0x10080] =	vst v63  }
0x6e: {  	_ = 	snop  }
0x6f: {  	[tilespmem:s24], [sflag:$0x2] =	stream.indirect_vreg.gather [hbm4b:s1+s3], $0x80, v3, vm0, $0xb8;
	[tilespmem:$0x10080] =	vst v63  }
0x70: {  	_ = 	snop  }
0x71: {  	[tilespmem:s25], [sflag:$0x2] =	stream.indirect_vreg.gather [hbm4b:s5+s3], $0x80, v3, vm0, $0xb8;
	[tilespmem:$0x10080] =	vst v63  }
0x72: {  	_ = 	snop  }
0x73: {  	[tilespmem:s26], [sflag:$0x2] =	stream.indirect_vreg.gather [hbm4b:s6+s3], $0x80, v3, vm0, $0xb8;
	[tilespmem:$0x10080] =	vst v63  }
0x74: {  	_ = 	snop  }
0x75: {  	[tilespmem:s28], [sflag:$0x2] =	stream.indirect_vreg.gather [hbm4b:s7+s3], $0x80, v3, vm0, $0xb8;
	[tilespmem:$0x10080] =	vst v63  }
0x76: {  	_ =	swait.ge [sflag:s29], $0x8000  }
0x77: {  	[sflag:s29] =	ssyncset.done $0x0  }
0x78: {  	[sflag:s29] =	ssyncadd.s32 $0xFFFF8000  }
0x79: {  	[hbm4b:s4+s3] =	stream.linear.scatter [tilespmem:s10], [sflag:$0x3], $0x8000, $0x38;
	[tilespmem:$0x10080] =	vst v63  }
0x7a: {  	_ =	swait.ge [sflag:s30], $0x8000  }
0x7b: {  	[sflag:s30] =	ssyncset.done $0x0  }
0x7c: {  	s11 =	rddreg [dreg:$0x5];
	[sflag:s30] =	ssyncadd.s32 $0xFFFF8000  }
0x7d: {  	[hbm4b:s11+s3] =	stream.linear.scatter [tilespmem:s12], [sflag:$0x4], $0x8000, $0x38;
	[tilespmem:$0x10080] =	vst v63  }
0x7e: {  	p0 =	sne.s32 s8, $0x1;
	_ =	swait.ge [sflag:s31], $0x8000  }
.Ltmp0:
0x7f: {  	[sflag:s31] =	ssyncset.done $0x0;
	(pc) =	sbr.rel @p0 .LBB2_1-.Ltmp0, $4  }
0x80: {  	[sflag:s31] =	ssyncadd.s32 $0xFFFF8000  }
0x81: {  	_ =	swait.ge [sflag:s2], $0x8000  }
0x82: {  	[sflag:s2] =	ssyncset.done $0x0  }
0x83: {  	s8 =	sadd.s32 $0xFFFFFFFF, s8;
	[sflag:s2] =	ssyncadd.s32 $0xFFFF8000  }
0x84: {  	_ =	sfence.sel $0x180000  }
0x85: {  	[bflag:$0x0] =	sbarrier.arrive $0xFFFF  }
0x86: {  	_ =	strace $0x90000047  }
0x87: {  	s0 =	stileid.u32;
	[bflag:$0x2] =	sbarrier.arrive $0xFFFF  }
0x88: {  	p0 =	sne.s32 s0, $0x0;
	s0 =	rddreg [dreg:$0x3]  }
0x89: {  	s0 =	sadd.s32 @!p0 $0x100000, s0  }
0x8a: {  	[sflag:s0] =	ssyncadd.tile.s32 @!p0 $0x1;
	_ =	shalt  }
.Lfunc_end2:
_tile_overlayer_lowered:
.L_overlay_start_2:
0x8b: {  	(tag) =	ssettag $0x2  }
0x8c: {  	s0 =	rddreg [dreg:$0x0];
	s2 =	stileid.u32  }
0x8d: {  	s1 =	rddreg [dreg:$0x1];
	p0 =	sne.s32 s2, $0x0  }
0x8e: {  	s3 =	rddreg [dreg:$0x2];
	[bflag:$0x3] =	sbarrier.arrive $0xFFFF;
	s2 =	simm.s32 @!p0 $0x1C05  }
0x8f: {  	[timem:s3], [sflag:s2] =	dma.local @!p0 [hbm:s0], s1  }
0x90: {  	s0 =	simm.s32 @!p0 $0x5  }
0x91: {  	_ =	swait.ge @!p0 [sflag:s0], s1  }
0x92: {  	s1 =	ssub.s32 @!p0 $0x0, s1;
	[sflag:s0] =	ssyncset.done @!p0 $0x0  }
0x93: {  	[sflag:s0] =	ssyncadd.s32 @!p0 s1  }
0x94: {  	[bflag:$0x3] =	sbarrier.arrive $0xFFFF  }
0x95: {  	_ =	shalt  }

// kernel: kernel.9.cloned.1.call-start
scs
__scs_entry_jumppad:
0x0: {  	(pc) =	sbr.rel $0x88, $3  }
0x1: {  	(tag) =	ssettag $0x0;
	lr =	simm.s32 $0x1  }
0x2: {  	[smem:$0x3F9A] =	sst lr;
	_ =	strace $0xD0000000  }
0x3: {  	_ = 	snop  }
0x4: {  	_ = 	snop  }
0x5: {  	_ = 	snop  }
0x6: {  	_ = 	snop  }
0x7: {  	_ = 	snop  }
__scs_overlays_trampoline_lowered:
0x8: {  	[smem:$0x3FA9] =	sst s0  }
0x9: {  	[smem:$0x3FAA] =	sst s1  }
0xa: {  	[smem:$0x3FAB] =	sst s2  }
0xb: {  	[smem:$0x3FAC] =	sst s3  }
0xc: {  	[smem:$0x3FAD] =	sst s4  }
0xd: {  	[smem:$0x3FAE] =	sst s5  }
0xe: {  	[smem:$0x3FAF] =	sst s6  }
0xf: {  	[smem:$0x3FB0] =	sst s7  }
0x10: {  	[smem:$0x3FB1] =	sst s8  }
0x11: {  	[smem:$0x3FB2] =	sst s9;
	s0 =	simm.s32 @!p0 $0x0  }
0x12: {  	s1 =	sld [smem:$0x3F98];
	s0 =	simm.s32 @p0 $0x1  }
0x13: {  	[smem:$0x3FB3] =	sst s0;
	s0 =	simm.s32 @!p1 $0x0  }
0x14: {  	s2 =	sld [smem:$0x3F97];
	s0 =	simm.s32 @p1 $0x1  }
0x15: {  	[smem:$0x3FB4] =	sst s0;
	s0 =	simm.s32 @!p2 $0x0  }
0x16: {  	s3 =	sld [smem:$0x3FDB];
	s0 =	simm.s32 @p2 $0x1  }
0x17: {  	s4 =	simm.s32 $0x1BF5;
	[smem:$0x3FB6] =	sst s0  }
0x18: {  	s0 =	sld [smem:$0x3F99];
	_ =	swait.ge [sflag:s4], $0x0  }
0x19: {  	s7 =	sld [smem:$0x3F9A]  }
0x1a: {  	s8 =	sadd.s32 $0xFFFFE003, lr  }
0x1b: {  	s9 =	sadd.s32 $0xFFFFFEF7, lr;
	s5 =	simm.s32 $0xFFFFFFFF;
	p2 =	slt.u32 s8, $0xFFFFF086  }
0x1c: {  	p1 =	slt.u32 s9, $0xF7A;
	s5 =	simm.s32 @!p2 $0x0  }
0x1d: {  	s5 =	simm.s32 @p1 $0x1;
	p0 =	seq.s32 s7, s2  }
0x1e: {  	s7 =	smul.u32 @!p0 $0xF7A, s2;
	p2 =	seq.s32 @!p0 s5, $0x0  }
0x1f: {  	s9 =	smul.u32 $0xF7A, s1;
	s8 =	simm.s32 @!p0 $0x1BF5;
	p2 =	por !p2, p0  }
0x20: {  	[sflag:s8] =	ssyncset.s32 @!p0 $0xFFFFF086;
	s6 =	sadd.s32 @!p0 s3, s7;
	s7 =	simm.s32 @!p0 $0x108  }
0x21: {  	s3 =	sadd.s32 s3, s9;
	s6 =	sadd.s32 @!p0 $0x88, s6;
	s7 =	simm.s32 @p2 $0x1082  }
0x22: {  	[simem:s7], [sflag:s8] =	dma.local @!p0 [hbm:s6], $0xF7A  }
0x23: {  	s9 =	sor.u32 $0xD0000000, s2;
	s6 =	simm.s32 $0x108;
	_ =	swait.ge @!p0 [sflag:s8], $0x0  }
0x24: {  	s3 =	sadd.s32 $0x88, s3;
	s6 =	simm.s32 @!p1 $0x1082;
	[sflag:s4] =	ssyncset.s32 $0xFFFFF086  }
0x25: {  	[simem:s6], [sflag:s4] =	dma.local [hbm:s3], $0xF7A  }
0x26: {  	[smem:$0x3F9A] =	sst s1;
	(tag) =	ssettag s2;
	_ =	strace s9  }
0x27: {  	s1 =	sld [smem:$0x3FAA]  }
0x28: {  	s2 =	sld [smem:$0x3FAB]  }
0x29: {  	s4 =	sld [smem:$0x3FAD]  }
0x2a: {  	p0 =	seq.s32 s5, $0x0;
	s5 =	sld [smem:$0x3FAE]  }
0x2b: {  	s6 =	sld [smem:$0x3FAF]  }
0x2c: {  	s7 =	sld [smem:$0x3FB0]  }
0x2d: {  	s3 =	simm.s32 $0x108;
	s8 =	sld [smem:$0x3FB1]  }
0x2e: {  	s3 =	simm.s32 @!p0 $0x1082;
	s9 =	sld [smem:$0x3FB2]  }
0x2f: {  	lr =	sadd.s32 s0, s3;
	s0 =	sld [smem:$0x3FA9]  }
0x30: {  	s3 =	sld [smem:$0x3FAC]  }
0x31: {  	[smem:$0x3FB5] =	sst s10  }
0x32: {  	s10 =	sld [smem:$0x3FB3];
	_ =	sdelay $0x3  }
0x33: {  	p0 =	seq.s32 s10, $0x1;
	s10 =	sld [smem:$0x3FB5];
	_ =	sdelay $0x3  }
0x34: {  	[smem:$0x3FB5] =	sst s10  }
0x35: {  	s10 =	sld [smem:$0x3FB4];
	_ =	sdelay $0x3  }
0x36: {  	p1 =	seq.s32 s10, $0x1;
	s10 =	sld [smem:$0x3FB5];
	_ =	sdelay $0x3  }
0x37: {  	[smem:$0x3FB5] =	sst s10  }
0x38: {  	s10 =	sld [smem:$0x3FB6]  }
0x39: {  	_ = 	snop;
	(pc) =	sbr.ind lr, $3  }
0x3a: {  	_ = 	snop  }
0x3b: {  	_ = 	snop  }
0x3c: {  	p2 =	seq.s32 s10, $0x1;
	s10 =	sld [smem:$0x3FB5]  }
0x3d: {  	_ =	shalt  }
0x3e: {  	_ =	shalt  }
0x3f: {  	_ =	shalt  }
0x40: {  	_ =	shalt  }
0x41: {  	_ =	shalt  }
0x42: {  	_ =	shalt  }
0x43: {  	_ =	shalt  }
0x44: {  	_ =	shalt  }
0x45: {  	_ =	shalt  }
0x46: {  	_ =	shalt  }
0x47: {  	_ =	shalt  }
0x48: {  	_ =	shalt  }
0x49: {  	_ =	shalt  }
0x4a: {  	_ =	shalt  }
0x4b: {  	_ =	shalt  }
0x4c: {  	_ =	shalt  }
0x4d: {  	_ =	shalt  }
0x4e: {  	_ =	shalt  }
0x4f: {  	_ =	shalt  }
0x50: {  	_ =	shalt  }
0x51: {  	_ =	shalt  }
0x52: {  	_ =	shalt  }
0x53: {  	_ =	shalt  }
0x54: {  	_ =	shalt  }
0x55: {  	_ =	shalt  }
0x56: {  	_ =	shalt  }
0x57: {  	_ =	shalt  }
0x58: {  	_ =	shalt  }
0x59: {  	_ =	shalt  }
0x5a: {  	_ =	shalt  }
0x5b: {  	_ =	shalt  }
0x5c: {  	_ =	shalt  }
0x5d: {  	_ =	shalt  }
0x5e: {  	_ =	shalt  }
0x5f: {  	_ =	shalt  }
0x60: {  	_ =	shalt  }
0x61: {  	_ =	shalt  }
0x62: {  	_ =	shalt  }
0x63: {  	_ =	shalt  }
0x64: {  	_ =	shalt  }
0x65: {  	_ =	shalt  }
0x66: {  	_ =	shalt  }
0x67: {  	_ =	shalt  }
0x68: {  	_ =	shalt  }
0x69: {  	_ =	shalt  }
0x6a: {  	_ =	shalt  }
0x6b: {  	_ =	shalt  }
0x6c: {  	_ =	shalt  }
0x6d: {  	_ =	shalt  }
0x6e: {  	_ =	shalt  }
0x6f: {  	_ =	shalt  }
0x70: {  	_ =	shalt  }
0x71: {  	_ =	shalt  }
0x72: {  	_ =	shalt  }
0x73: {  	_ =	shalt  }
0x74: {  	_ =	shalt  }
0x75: {  	_ =	shalt  }
0x76: {  	_ =	shalt  }
0x77: {  	_ =	shalt  }
0x78: {  	_ =	shalt  }
0x79: {  	_ =	shalt  }
0x7a: {  	_ =	shalt  }
0x7b: {  	_ =	shalt  }
0x7c: {  	_ =	shalt  }
0x7d: {  	_ =	shalt  }
0x7e: {  	_ =	shalt  }
0x7f: {  	_ =	shalt  }
0x80: {  	_ =	shalt  }
0x81: {  	_ =	shalt  }
0x82: {  	_ =	shalt  }
0x83: {  	_ =	shalt  }
0x84: {  	_ =	shalt  }
0x85: {  	_ =	shalt  }
0x86: {  	_ =	shalt  }
0x87: {  	_ =	shalt  }
.Lfunc_end0:
.L_simem_size_0:
called_computation.1_lowered:
.L_overlay_start_0:
0x88: {  	s2 =	sld [smem:$0x3FD9]  }
0x89: {  	s3 =	sld [smem:$0x3FFE];
	_ =	sdelay $0x1  }
0x8a: {  	s1 =	srdreg.scid  }
0x8b: {  	s0 =	sand.u32 $0x1, s1  }
0x8c: {  	s17 =	sshll.u32 s0, $0xA;
	s2 =	sadd.s32 s3, s2  }
0x8d: {  	s2 =	sadd.s32 s2, s17  }
0x8e: {  	[smem:$0x3FC1] =	sst s2  }
0x8f: {  	_ = 	snop  }
0x90: {  	s18 =	sld [smem:$0x3FC7];
	(tm) =	ssettm $0x1  }
0x91: {  	s19 =	sld [smem:$0x3FFB];
	_ =	sdelay $0x3  }
0x92: {  	_ =	strace s19  }
0x93: {  	s2 =	sld [smem:$0x3FFC];
	_ =	sdelay $0x3  }
0x94: {  	_ =	strace s2  }
0x95: {  	s2 =	sld [smem:$0x3FFD];
	_ =	sdelay $0x3  }
0x96: {  	_ =	strace s2  }
0x97: {  	_ =	strace $0x8FFFFFFF  }
0x98: {  	s20 =	sld [smem:$0x3FDB];
	_ =	sdelay $0x1  }
0x99: {  	s4 =	simm.s32 $_scs_section_size  }
0x9a: {  	s5 =	simm.s32 $_size__tile_overlayer_lowered;
	s6 =	simm.s32 $_tile_overlayer_lowered  }
0x9b: {  	s7 =	simm.s32 $0x1BFF;
	s21 =	sshll.u32 s6, $0x1;
	s4 =	sadd.s32 s4, s20  }
0x9c: {  	s22 =	simm.s32 $0x0;
	s5 =	sshll.u32 s5, $0x1;
	s6 =	sadd.s32 s21, s4  }
0x9d: {  	[timem:s22], [sflag:s7] =	dma.local [hbm:s6], s5  }
0x9e: {  	_ =	swait.ge [sflag:s7], s5  }
0x9f: {  	s5 =	ssub.s32 $0x0, s5;
	[sflag:s7] =	ssyncset.done $0x0  }
0xa0: {  	[sflag:s7] =	ssyncadd.s32 s5;
	_ =	sdelay $0x1  }
0xa1: {  	s23 =	simm.s32 $0x1B8B  }
0xa2: {  	_ =	swait.ge [sflag:s23], $0x1  }
0xa3: {  	[sflag:s23] =	ssyncset.done $0x0  }
0xa4: {  	[sflag:s23] =	ssyncadd.s32 $0xFFFFFFFF  }
0xa5: {  	s5 =	sld [smem:$0x0]  }
0xa6: {  	s6 =	sand.u32 $0xFFFFFFFE, s1  }
0xa7: {  	p0 =	sne.s32 s1, s6  }
0xa8: {  	s6 =	sshll.u32 @p0 s6, $0xE  }
0xa9: {  	s6 =	sadd.s32 @p0 $0x11B8D, s6;
	s7 =	sshll.u32 @p0 s5, $0x11  }
0xaa: {  	s6 =	sor.u32 @p0 s7, s6  }
0xab: {  	[sflag:s6] =	ssyncadd.remote.s32 @p0 $0x1;
	_ =	sdelay $0x1  }
0xac: {  	s6 =	simm.s32 @p0 $0x1B8D  }
0xad: {  	_ =	swait.eq @p0 [sflag:s6], $0x1  }
0xae: {  	[sflag:s6] =	ssyncadd.s32 @p0 $0xFFFFFFFF  }
0xaf: {  	s7 =	sshll.u32 @!p0 s1, $0xE  }
0xb0: {  	s7 =	sor.u32 @!p0 $0x4000, s7;
	s6 =	simm.s32 @!p0 $0x1B8D  }
0xb1: {  	s5 =	sshll.u32 @!p0 s5, $0x11;
	s7 =	sadd.s32 @!p0 $0x11B8D, s7;
	_ =	swait.eq @!p0 [sflag:s6], $0x1  }
0xb2: {  	s5 =	sor.u32 @!p0 s5, s7;
	[sflag:s6] =	ssyncadd.s32 @!p0 $0xFFFFFFFF  }
0xb3: {  	s25 =	simm.s32 $0x1B8E;
	s24 =	sld [smem:$0x3FFE];
	[sflag:s5] =	ssyncadd.remote.s32 @!p0 $0x1  }
0xb4: {  	s26 =	simm.s32 $execute0_lowered;
	[smem:$0x3FD2] =	sst s25  }
0xb5: {  	s6 =	sshll.u32 s26, $0x1;
	_ =	strace $0x80000049;
	[dreg:$0x1] =	wrdreg $0xFFFFFFFF  }
0xb6: {  	s28 =	simm.s32 $_size_execute0_lowered;
	s4 =	sadd.s32 s4, s6;
	[dreg:$0x0] =	wrdreg $0x0  }
0xb7: {  	s6 =	sshll.u32 s28, $0x1;
	[dreg:$0x2] =	wrdreg s4  }
0xb8: {  	[dreg:$0x3] =	wrdreg s6  }
0xb9: {  	[dreg:$0x4] =	wrdreg $0xC0  }
0xba: {  	_ =	task [dreg:s22], $0x5FFFF  }
0xbb: {  	[dreg:$0x1] =	wrdreg $0xFFFFFFFF  }
0xbc: {  	[dreg:$0x0] =	wrdreg $0x60  }
0xbd: {  	[dreg:$0x2] =	wrdreg s18  }
0xbe: {  	[dreg:$0x3] =	wrdreg s24  }
0xbf: {  	[dreg:$0x4] =	wrdreg $0xA  }
0xc0: {  	_ =	task.clear_ibuf [dreg:s22], $0x5FFFF;
	_ =	strace $0x90000049  }
0xc1: {  	s29 =	simm.s32 $0xA;
	_ =	strace $0x8000004B  }
0xc2: {  	_ =	swait.ge [sflag:s29], $0x1  }
0xc3: {  	[sflag:s29] =	ssyncadd.s32 $0xFFFFFFFF  }
0xc4: {  	_ =	strace $0x9000004B  }
0xc5: {  	_ =	sfence  }
0xc6: {  	s30 =	sld [smem:$0x0];
	_ =	sdelay $0x2  }
0xc7: {  	s31 =	sshll.u32 s1, $0xD;
	s1 =	sshrl.u32 s1, $0x2  }
0xc8: {  	s4 =	sand.u32 $0x4000, s31;
	s1 =	sadd.s32 s1, s30  }
0xc9: {  	s0 =	sor.u32 s4, s0;
	s1 =	sshll.u32 s1, $0x11  }
0xca: {  	s0 =	sor.u32 s1, s0  }
0xcb: {  	s0 =	sadd.s32 $0x8F2B, s0  }
0xcc: {  	[sflag:s0] =	ssyncadd.remote.s32 $0x1  }
0xcd: {  	_ =	sfence.sel $0xFFFF  }
0xce: {  	[dreg:$0x0] =	wrdreg $0xFFFFFFFF;
	(pc) =	sbr.abs _section_cstart, $3  }
0xcf: {  	[dreg:$0x1] =	wrdreg $0xFFFFFFFF  }
0xd0: {  	_ =	task.clear_ibuf [dreg:s22], $0x2FFFF;
	_ =	strace $0x9FFFFFFF  }
0xd1: {  	(tm) =	ssettm $0x7FFFFFFF  }
tec
execute0_lowered:
.L_overlay_start_1:
0x0: {  	(tag) =	ssettag $0x1  }
0x1: {  	s0 =	srdreg.scid;
	s6 =	stileid.u32  }
0x2: {  	s5 =	rddreg [dreg:$0x1];
	s18 =	simm.s32 $0x1;
	s19 =	simm.s32 $0x3  }
0x3: {  	s20 =	simm.s32 $0x2;
	s0 =	sand.u32 $0x1, s0;
	s1 =	sshll.u32 s6, $0x1  }
0x4: {  	s21 =	simm.s32 $0x4;
	s28 =	simm.s32 $0x2100;
	s1 =	sor.u32 s0, s1  }
0x5: {  	s29 =	simm.s32 $0x2900;
	s30 =	simm.s32 $0x3100;
	s2 =	smul.u32 $0x80040, s1  }
0x6: {  	s31 =	simm.s32 $0x3900;
	s10 =	simm.s32 $0x4900;
	s9 =	simm.s32 $0x5900  }
0x7: {  	s11 =	simm.s32 $0x6100;
	s3 =	smul.u32 $0xC0, s1;
	s4 =	sshrl.u32 s2, $0x16  }
0x8: {  	s12 =	simm.s32 $0x6900;
	s13 =	simm.s32 $0x7100;
	s4 =	smul.u32 $0x600, s4  }
0x9: {  	s14 =	simm.s32 $0x7900;
	s15 =	simm.s32 $0x8900;
	s6 =	sshll.u32 s6, $0x9  }
0xa: {  	s16 =	simm.s32 $0x9100;
	s6 =	sand.u32 $0x1800, s6;
	s4 =	ssub.s32 s3, s4  }
0xb: {  	s0 =	ssub.s32 $0x2, s0;
	s22 =	smul.u32 $0x6000, s1;
	s4 =	sand.u32 $0xFFC0, s4  }
0xc: {  	s1 =	smul.u32 $0x30000, s1;
	s7 =	sshrl.u32 s0, $0x1;
	s4 =	sor.u32 s6, s4  }
0xd: {  	s17 =	simm.s32 $0x9900;
	s0 =	ssub.s32 s0, s7;
	s4 =	sadd.s32 $0x200, s4  }
0xe: {  	s2 =	rddreg [dreg:$0x0];
	s1 =	sshrl.u32 s1, $0x3;
	s4 =	sshrl.u32 s4, $0x3  }
0xf: {  	s8 =	smax.u32 s0, $0x1;
	s3 =	simm.s32 $0x0;
	s4 =	sadd.s32 s4, s5  }
0x10: {  	[smem:$0x7FF] =	sst s3;
	s5 =	sadd.s32 $0x1A00, s5;
	s4 =	sadd.s32 $0x1600, s4  }
0x11: {  	_ =	strace $0x8000004A;
	s6 =	sadd.s32 s5, s22;
	[dreg:$0x3] =	wrdreg s4  }
0x12: {  	s1 =	sadd.s32 s5, s1;
	[dreg:$0x9] =	wrdreg s6;
	s23 =	sadd.s32 $0x1000, s6  }
0x13: {  	s0 =	simm.s32 $0x8100;
	s24 =	sadd.s32 $0x2000, s1;
	[dreg:$0x4] =	wrdreg s23  }
0x14: {  	s7 =	sadd.s32 $0x300, s2;
	s25 =	sadd.s32 $0x3000, s1;
	[dreg:$0x5] =	wrdreg s24  }
0x15: {  	s5 =	sadd.s32 $0x100, s2;
	s26 =	sadd.s32 $0x4000, s1;
	[dreg:$0x6] =	wrdreg s25  }
0x16: {  	v2 =	vlaneseq.u32;
	s6 =	sadd.s32 $0x200, s2;
	s1 =	sadd.s32 $0x5000, s1;
	[dreg:$0x7] =	wrdreg s26  }
0x17: {  	vm0 =	vmmov $0xffff;
	v1 =	vshrl.u32 v2, $0x3;
	s4 =	simm.s32 $0x5100;
	[dreg:$0x8] =	wrdreg s1;
	s26 =	simm.s32 $0x100  }
0x18: {  	v0 =	vand.u32 $0x7, v2;
	v2 =	vor.u32 $0x8, v2;
	v1 =	vmul.u32 $0x8, v1;
	s23 =	simm.s32 $0x900;
	s24 =	simm.s32 $0x1100;
	s25 =	simm.s32 $0x1900  }
.LBB2_1:
0x19: {  	s22 =	rddreg [dreg:$0x3];
	s1 =	simm.s32 $0x5  }
0x1a: {  	[tilespmem:s3], [sflag:$0x5] =	stream.linear.gather [hbm4b:s22+s3], $0xC0, $0x38;
	[tilespmem:$0x10100] =	vst v63  }
0x1b: {  	_ =	swait.ge [sflag:s1], $0xC0  }
0x1c: {  	[sflag:s1] =	ssyncset.done $0x0  }
0x1d: {  	[sflag:s1] =	ssyncadd.s32 $0xFFFFFF40  }
0x1e: {  	v3 =	vld [tilespmem:$0x0];
	_ =	sdelay $0x4  }
0x1f: {  	v4 =	vshll.u32 v3, $0x3  }
0x20: {  	v3 =	vand.u32 $0x7, v3;
	v4 =	vand.u32 $0xFFFFFFC0, v4  }
0x21: {  	v3 =	vor.u32 v3, v4  }
0x22: {  	v4 =	vperm.xlane v3, v0;
	_ =	sdelay $0x1  }
0x23: {  	v4 =	vadd.s32 v1, v4;
	_ =	sdelay $0x4  }
0x24: {  	[tilespmem:s26], [sflag:$0x1] =	stream.indirect_vreg.gather [hbm4b:s2+s3], $0x80, v4, vm0, $0xb8;
	[tilespmem:$0x10100] =	vst v63  }
0x25: {  	v3 =	vperm.xlane v3, v2  }
0x26: {  	[tilespmem:s23], [sflag:$0x1] =	stream.indirect_vreg.gather [hbm4b:s5+s3], $0x80, v4, vm0, $0xb8;
	[tilespmem:$0x10100] =	vst v63  }
0x27: {  	v3 =	vadd.s32 v1, v3  }
0x28: {  	[tilespmem:s24], [sflag:$0x1] =	stream.indirect_vreg.gather [hbm4b:s6+s3], $0x80, v4, vm0, $0xb8;
	[tilespmem:$0x10100] =	vst v63  }
0x29: {  	_ = 	snop  }
0x2a: {  	[tilespmem:s25], [sflag:$0x1] =	stream.indirect_vreg.gather [hbm4b:s7+s3], $0x80, v4, vm0, $0xb8;
	[tilespmem:$0x10100] =	vst v63  }
0x2b: {  	_ = 	snop  }
0x2c: {  	[tilespmem:s28], [sflag:$0x1] =	stream.indirect_vreg.gather [hbm4b:s2+s3], $0x80, v3, vm0, $0xb8;
	[tilespmem:$0x10100] =	vst v63  }
0x2d: {  	_ = 	snop  }
0x2e: {  	[tilespmem:s29], [sflag:$0x1] =	stream.indirect_vreg.gather [hbm4b:s5+s3], $0x80, v3, vm0, $0xb8;
	[tilespmem:$0x10100] =	vst v63  }
0x2f: {  	_ = 	snop  }
0x30: {  	[tilespmem:s30], [sflag:$0x1] =	stream.indirect_vreg.gather [hbm4b:s6+s3], $0x80, v3, vm0, $0xb8;
	[tilespmem:$0x10100] =	vst v63  }
0x31: {  	_ = 	snop  }
0x32: {  	[tilespmem:s31], [sflag:$0x1] =	stream.indirect_vreg.gather [hbm4b:s7+s3], $0x80, v3, vm0, $0xb8;
	[tilespmem:$0x10100] =	vst v63  }
0x33: {  	v3 =	vld [tilespmem:$0x10];
	_ =	sdelay $0x4  }
0x34: {  	v53 =	vshll.u32 v3, $0x3  }
0x35: {  	v3 =	vand.u32 $0x7, v3;
	v4 =	vand.u32 $0xFFFFFFC0, v53  }
0x36: {  	v3 =	vor.u32 v3, v4  }
0x37: {  	v4 =	vperm.xlane v3, v0;
	_ =	sdelay $0x1  }
0x38: {  	v4 =	vadd.s32 v1, v4;
	_ =	sdelay $0x3  }
0x39: {  	s1 =	simm.s32 $0x4100  }
0x3a: {  	[tilespmem:s1], [sflag:$0x1] =	stream.indirect_vreg.gather [hbm4b:s2+s3], $0x80, v4, vm0, $0xb8;
	[tilespmem:$0x10100] =	vst v63  }
0x3b: {  	v3 =	vperm.xlane v3, v2  }
0x3c: {  	[tilespmem:s10], [sflag:$0x1] =	stream.indirect_vreg.gather [hbm4b:s5+s3], $0x80, v4, vm0, $0xb8;
	[tilespmem:$0x10100] =	vst v63  }
0x3d: {  	v3 =	vadd.s32 v1, v3  }
0x3e: {  	[tilespmem:s4], [sflag:$0x1] =	stream.indirect_vreg.gather [hbm4b:s6+s3], $0x80, v4, vm0, $0xb8;
	[tilespmem:$0x10100] =	vst v63  }
0x3f: {  	_ = 	snop  }
0x40: {  	[tilespmem:s9], [sflag:$0x1] =	stream.indirect_vreg.gather [hbm4b:s7+s3], $0x80, v4, vm0, $0xb8;
	[tilespmem:$0x10100] =	vst v63  }
0x41: {  	_ = 	snop  }
0x42: {  	[tilespmem:s11], [sflag:$0x1] =	stream.indirect_vreg.gather [hbm4b:s2+s3], $0x80, v3, vm0, $0xb8;
	[tilespmem:$0x10100] =	vst v63  }
0x43: {  	_ = 	snop  }
0x44: {  	[tilespmem:s12], [sflag:$0x1] =	stream.indirect_vreg.gather [hbm4b:s5+s3], $0x80, v3, vm0, $0xb8;
	[tilespmem:$0x10100] =	vst v63  }
0x45: {  	_ = 	snop  }
0x46: {  	[tilespmem:s13], [sflag:$0x1] =	stream.indirect_vreg.gather [hbm4b:s6+s3], $0x80, v3, vm0, $0xb8;
	[tilespmem:$0x10100] =	vst v63  }
0x47: {  	_ = 	snop  }
0x48: {  	[tilespmem:s14], [sflag:$0x1] =	stream.indirect_vreg.gather [hbm4b:s7+s3], $0x80, v3, vm0, $0xb8;
	[tilespmem:$0x10100] =	vst v63  }
0x49: {  	v3 =	vld [tilespmem:$0x20];
	_ =	sdelay $0x4  }
0x4a: {  	v54 =	vshll.u32 v3, $0x3  }
0x4b: {  	v3 =	vand.u32 $0x7, v3;
	v4 =	vand.u32 $0xFFFFFFC0, v54  }
0x4c: {  	v3 =	vor.u32 v3, v4  }
0x4d: {  	v4 =	vperm.xlane v3, v0;
	_ =	sdelay $0x1  }
0x4e: {  	v4 =	vadd.s32 v1, v4;
	_ =	sdelay $0x4  }
0x4f: {  	[tilespmem:s0], [sflag:$0x2] =	stream.indirect_vreg.gather [hbm4b:s2+s3], $0x80, v4, vm0, $0xb8;
	[tilespmem:$0x10100] =	vst v63  }
0x50: {  	v3 =	vperm.xlane v3, v2  }
0x51: {  	[tilespmem:s15], [sflag:$0x2] =	stream.indirect_vreg.gather [hbm4b:s5+s3], $0x80, v4, vm0, $0xb8;
	[tilespmem:$0x10100] =	vst v63  }
0x52: {  	v3 =	vadd.s32 v1, v3  }
0x53: {  	[tilespmem:s16], [sflag:$0x2] =	stream.indirect_vreg.gather [hbm4b:s6+s3], $0x80, v4, vm0, $0xb8;
	[tilespmem:$0x10100] =	vst v63  }
0x54: {  	_ = 	snop  }
0x55: {  	[tilespmem:s17], [sflag:$0x2] =	stream.indirect_vreg.gather [hbm4b:s7+s3], $0x80, v4, vm0, $0xb8;
	[tilespmem:$0x10100] =	vst v63  }
0x56: {  	s22 =	simm.s32 $0xA100  }
0x57: {  	[tilespmem:s22], [sflag:$0x2] =	stream.indirect_vreg.gather [hbm4b:s2+s3], $0x80, v3, vm0, $0xb8;
	[tilespmem:$0x10100] =	vst v63  }
0x58: {  	s22 =	simm.s32 $0xA900  }
0x59: {  	[tilespmem:s22], [sflag:$0x2] =	stream.indirect_vreg.gather [hbm4b:s5+s3], $0x80, v3, vm0, $0xb8;
	[tilespmem:$0x10100] =	vst v63  }
0x5a: {  	s22 =	simm.s32 $0xB100  }
0x5b: {  	[tilespmem:s22], [sflag:$0x2] =	stream.indirect_vreg.gather [hbm4b:s6+s3], $0x80, v3, vm0, $0xb8;
	[tilespmem:$0x10100] =	vst v63  }
0x5c: {  	s22 =	simm.s32 $0xB900  }
0x5d: {  	[tilespmem:s22], [sflag:$0x2] =	stream.indirect_vreg.gather [hbm4b:s7+s3], $0x80, v3, vm0, $0xb8;
	[tilespmem:$0x10100] =	vst v63  }
0x5e: {  	v3 =	vld [tilespmem:$0x30];
	_ =	sdelay $0x4  }
0x5f: {  	v55 =	vshll.u32 v3, $0x3  }
0x60: {  	v3 =	vand.u32 $0x7, v3;
	v4 =	vand.u32 $0xFFFFFFC0, v55  }
0x61: {  	v3 =	vor.u32 v3, v4  }
0x62: {  	v4 =	vperm.xlane v3, v0;
	_ =	sdelay $0x1  }
0x63: {  	v4 =	vadd.s32 v1, v4;
	_ =	sdelay $0x3  }
0x64: {  	s22 =	simm.s32 $0xC100  }
0x65: {  	[tilespmem:s22], [sflag:$0x2] =	stream.indirect_vreg.gather [hbm4b:s2+s3], $0x80, v4, vm0, $0xb8;
	[tilespmem:$0x10100] =	vst v63  }
0x66: {  	v3 =	vperm.xlane v3, v2;
	s22 =	simm.s32 $0xC900  }
0x67: {  	[tilespmem:s22], [sflag:$0x2] =	stream.indirect_vreg.gather [hbm4b:s5+s3], $0x80, v4, vm0, $0xb8;
	[tilespmem:$0x10100] =	vst v63  }
0x68: {  	v3 =	vadd.s32 v1, v3;
	s22 =	simm.s32 $0xD100  }
0x69: {  	[tilespmem:s22], [sflag:$0x2] =	stream.indirect_vreg.gather [hbm4b:s6+s3], $0x80, v4, vm0, $0xb8;
	[tilespmem:$0x10100] =	vst v63  }
0x6a: {  	s22 =	simm.s32 $0xD900  }
0x6b: {  	[tilespmem:s22], [sflag:$0x2] =	stream.indirect_vreg.gather [hbm4b:s7+s3], $0x80, v4, vm0, $0xb8;
	[tilespmem:$0x10100] =	vst v63  }
0x6c: {  	s22 =	simm.s32 $0xE100  }
0x6d: {  	[tilespmem:s22], [sflag:$0x2] =	stream.indirect_vreg.gather [hbm4b:s2+s3], $0x80, v3, vm0, $0xb8;
	[tilespmem:$0x10100] =	vst v63  }
0x6e: {  	s22 =	simm.s32 $0xE900  }
0x6f: {  	[tilespmem:s22], [sflag:$0x2] =	stream.indirect_vreg.gather [hbm4b:s5+s3], $0x80, v3, vm0, $0xb8;
	[tilespmem:$0x10100] =	vst v63  }
0x70: {  	s22 =	simm.s32 $0xF100  }
0x71: {  	[tilespmem:s22], [sflag:$0x2] =	stream.indirect_vreg.gather [hbm4b:s6+s3], $0x80, v3, vm0, $0xb8;
	[tilespmem:$0x10100] =	vst v63  }
0x72: {  	s22 =	simm.s32 $0xF900  }
0x73: {  	[tilespmem:s22], [sflag:$0x2] =	stream.indirect_vreg.gather [hbm4b:s7+s3], $0x80, v3, vm0, $0xb8;
	[tilespmem:$0x10100] =	vst v63  }
0x74: {  	_ =	swait.ge [sflag:s18], $0x8000  }
0x75: {  	[sflag:s18] =	ssyncset.done $0x0  }
0x76: {  	s22 =	rddreg [dreg:$0x9];
	[sflag:s18] =	ssyncadd.s32 $0xFFFF8000  }
0x77: {  	[hbm4b:s22+s3] =	stream.linear.scatter [tilespmem:s26], [sflag:$0x3], $0x8000, $0x38;
	[tilespmem:$0x10100] =	vst v63  }
0x78: {  	_ =	swait.ge [sflag:s19], $0x8000  }
0x79: {  	[sflag:s19] =	ssyncset.done $0x0  }
0x7a: {  	[sflag:s19] =	ssyncadd.s32 $0xFFFF8000  }
0x7b: {  	v3 =	vld [tilespmem:$0x40];
	_ =	sdelay $0x4  }
0x7c: {  	v56 =	vshll.u32 v3, $0x3  }
0x7d: {  	v3 =	vand.u32 $0x7, v3;
	v4 =	vand.u32 $0xFFFFFFC0, v56  }
0x7e: {  	v3 =	vor.u32 v3, v4  }
0x7f: {  	v4 =	vperm.xlane v3, v0;
	_ =	sdelay $0x1  }
0x80: {  	v4 =	vadd.s32 v1, v4;
	_ =	sdelay $0x4  }
0x81: {  	[tilespmem:s26], [sflag:$0x1] =	stream.indirect_vreg.gather [hbm4b:s2+s3], $0x80, v4, vm0, $0xb8;
	[tilespmem:$0x10100] =	vst v63  }
0x82: {  	v3 =	vperm.xlane v3, v2  }
0x83: {  	[tilespmem:s23], [sflag:$0x1] =	stream.indirect_vreg.gather [hbm4b:s5+s3], $0x80, v4, vm0, $0xb8;
	[tilespmem:$0x10100] =	vst v63  }
0x84: {  	v3 =	vadd.s32 v1, v3  }
0x85: {  	[tilespmem:s24], [sflag:$0x1] =	stream.indirect_vreg.gather [hbm4b:s6+s3], $0x80, v4, vm0, $0xb8;
	[tilespmem:$0x10100] =	vst v63  }
0x86: {  	_ = 	snop  }
0x87: {  	[tilespmem:s25], [sflag:$0x1] =	stream.indirect_vreg.gather [hbm4b:s7+s3], $0x80, v4, vm0, $0xb8;
	[tilespmem:$0x10100] =	vst v63  }
0x88: {  	_ = 	snop  }
0x89: {  	[tilespmem:s28], [sflag:$0x1] =	stream.indirect_vreg.gather [hbm4b:s2+s3], $0x80, v3, vm0, $0xb8;
	[tilespmem:$0x10100] =	vst v63  }
0x8a: {  	_ = 	snop  }
0x8b: {  	[tilespmem:s29], [sflag:$0x1] =	stream.indirect_vreg.gather [hbm4b:s5+s3], $0x80, v3, vm0, $0xb8;
	[tilespmem:$0x10100] =	vst v63  }
0x8c: {  	_ = 	snop  }
0x8d: {  	[tilespmem:s30], [sflag:$0x1] =	stream.indirect_vreg.gather [hbm4b:s6+s3], $0x80, v3, vm0, $0xb8;
	[tilespmem:$0x10100] =	vst v63  }
0x8e: {  	_ = 	snop  }
0x8f: {  	[tilespmem:s31], [sflag:$0x1] =	stream.indirect_vreg.gather [hbm4b:s7+s3], $0x80, v3, vm0, $0xb8;
	[tilespmem:$0x10100] =	vst v63  }
0x90: {  	v3 =	vld [tilespmem:$0x50];
	_ =	sdelay $0x4  }
0x91: {  	v57 =	vshll.u32 v3, $0x3  }
0x92: {  	v3 =	vand.u32 $0x7, v3;
	v4 =	vand.u32 $0xFFFFFFC0, v57  }
0x93: {  	v3 =	vor.u32 v3, v4  }
0x94: {  	v4 =	vperm.xlane v3, v0;
	_ =	sdelay $0x1  }
0x95: {  	v4 =	vadd.s32 v1, v4;
	_ =	sdelay $0x4  }
0x96: {  	[tilespmem:s1], [sflag:$0x1] =	stream.indirect_vreg.gather [hbm4b:s2+s3], $0x80, v4, vm0, $0xb8;
	[tilespmem:$0x10100] =	vst v63  }
0x97: {  	v3 =	vperm.xlane v3, v2  }
0x98: {  	[tilespmem:s10], [sflag:$0x1] =	stream.indirect_vreg.gather [hbm4b:s5+s3], $0x80, v4, vm0, $0xb8;
	[tilespmem:$0x10100] =	vst v63  }
0x99: {  	v3 =	vadd.s32 v1, v3  }
0x9a: {  	[tilespmem:s4], [sflag:$0x1] =	stream.indirect_vreg.gather [hbm4b:s6+s3], $0x80, v4, vm0, $0xb8;
	[tilespmem:$0x10100] =	vst v63  }
0x9b: {  	_ = 	snop  }
0x9c: {  	[tilespmem:s9], [sflag:$0x1] =	stream.indirect_vreg.gather [hbm4b:s7+s3], $0x80, v4, vm0, $0xb8;
	[tilespmem:$0x10100] =	vst v63  }
0x9d: {  	_ = 	snop  }
0x9e: {  	[tilespmem:s11], [sflag:$0x1] =	stream.indirect_vreg.gather [hbm4b:s2+s3], $0x80, v3, vm0, $0xb8;
	[tilespmem:$0x10100] =	vst v63  }
0x9f: {  	_ = 	snop  }
0xa0: {  	[tilespmem:s12], [sflag:$0x1] =	stream.indirect_vreg.gather [hbm4b:s5+s3], $0x80, v3, vm0, $0xb8;
	[tilespmem:$0x10100] =	vst v63  }
0xa1: {  	_ = 	snop  }
0xa2: {  	[tilespmem:s13], [sflag:$0x1] =	stream.indirect_vreg.gather [hbm4b:s6+s3], $0x80, v3, vm0, $0xb8;
	[tilespmem:$0x10100] =	vst v63  }
0xa3: {  	_ = 	snop  }
0xa4: {  	[tilespmem:s14], [sflag:$0x1] =	stream.indirect_vreg.gather [hbm4b:s7+s3], $0x80, v3, vm0, $0xb8;
	[tilespmem:$0x10100] =	vst v63  }
0xa5: {  	_ =	swait.ge [sflag:s20], $0x8000  }
0xa6: {  	[sflag:s20] =	ssyncset.done $0x0  }
0xa7: {  	s22 =	rddreg [dreg:$0x4];
	[sflag:s20] =	ssyncadd.s32 $0xFFFF8000  }
0xa8: {  	[hbm4b:s22+s3] =	stream.linear.scatter [tilespmem:s0], [sflag:$0x4], $0x8000, $0x38;
	[tilespmem:$0x10100] =	vst v63  }
0xa9: {  	_ =	swait.ge [sflag:s21], $0x8000  }
0xaa: {  	[sflag:s21] =	ssyncset.done $0x0  }
0xab: {  	[sflag:s21] =	ssyncadd.s32 $0xFFFF8000  }
0xac: {  	v3 =	vld [tilespmem:$0x60];
	_ =	sdelay $0x4  }
0xad: {  	v58 =	vshll.u32 v3, $0x3  }
0xae: {  	v3 =	vand.u32 $0x7, v3;
	v4 =	vand.u32 $0xFFFFFFC0, v58  }
0xaf: {  	v3 =	vor.u32 v3, v4  }
0xb0: {  	v4 =	vperm.xlane v3, v0;
	_ =	sdelay $0x1  }
0xb1: {  	v4 =	vadd.s32 v1, v4;
	_ =	sdelay $0x4  }
0xb2: {  	[tilespmem:s0], [sflag:$0x2] =	stream.indirect_vreg.gather [hbm4b:s2+s3], $0x80, v4, vm0, $0xb8;
	[tilespmem:$0x10100] =	vst v63  }
0xb3: {  	v3 =	vperm.xlane v3, v2  }
0xb4: {  	[tilespmem:s15], [sflag:$0x2] =	stream.indirect_vreg.gather [hbm4b:s5+s3], $0x80, v4, vm0, $0xb8;
	[tilespmem:$0x10100] =	vst v63  }
0xb5: {  	v3 =	vadd.s32 v1, v3  }
0xb6: {  	[tilespmem:s16], [sflag:$0x2] =	stream.indirect_vreg.gather [hbm4b:s6+s3], $0x80, v4, vm0, $0xb8;
	[tilespmem:$0x10100] =	vst v63  }
0xb7: {  	_ = 	snop  }
0xb8: {  	[tilespmem:s17], [sflag:$0x2] =	stream.indirect_vreg.gather [hbm4b:s7+s3], $0x80, v4, vm0, $0xb8;
	[tilespmem:$0x10100] =	vst v63  }
0xb9: {  	s22 =	simm.s32 $0xA100  }
0xba: {  	[tilespmem:s22], [sflag:$0x2] =	stream.indirect_vreg.gather [hbm4b:s2+s3], $0x80, v3, vm0, $0xb8;
	[tilespmem:$0x10100] =	vst v63  }
0xbb: {  	s22 =	simm.s32 $0xA900  }
0xbc: {  	[tilespmem:s22], [sflag:$0x2] =	stream.indirect_vreg.gather [hbm4b:s5+s3], $0x80, v3, vm0, $0xb8;
	[tilespmem:$0x10100] =	vst v63  }
0xbd: {  	s22 =	simm.s32 $0xB100  }
0xbe: {  	[tilespmem:s22], [sflag:$0x2] =	stream.indirect_vreg.gather [hbm4b:s6+s3], $0x80, v3, vm0, $0xb8;
	[tilespmem:$0x10100] =	vst v63  }
0xbf: {  	s22 =	simm.s32 $0xB900  }
0xc0: {  	[tilespmem:s22], [sflag:$0x2] =	stream.indirect_vreg.gather [hbm4b:s7+s3], $0x80, v3, vm0, $0xb8;
	[tilespmem:$0x10100] =	vst v63  }
0xc1: {  	v3 =	vld [tilespmem:$0x70];
	_ =	sdelay $0x4  }
0xc2: {  	v59 =	vshll.u32 v3, $0x3  }
0xc3: {  	v3 =	vand.u32 $0x7, v3;
	v4 =	vand.u32 $0xFFFFFFC0, v59  }
0xc4: {  	v3 =	vor.u32 v3, v4  }
0xc5: {  	v4 =	vperm.xlane v3, v0;
	_ =	sdelay $0x1  }
0xc6: {  	v4 =	vadd.s32 v1, v4;
	_ =	sdelay $0x3  }
0xc7: {  	s22 =	simm.s32 $0xC100  }
0xc8: {  	[tilespmem:s22], [sflag:$0x2] =	stream.indirect_vreg.gather [hbm4b:s2+s3], $0x80, v4, vm0, $0xb8;
	[tilespmem:$0x10100] =	vst v63  }
0xc9: {  	v3 =	vperm.xlane v3, v2;
	s22 =	simm.s32 $0xC900  }
0xca: {  	[tilespmem:s22], [sflag:$0x2] =	stream.indirect_vreg.gather [hbm4b:s5+s3], $0x80, v4, vm0, $0xb8;
	[tilespmem:$0x10100] =	vst v63  }
0xcb: {  	v3 =	vadd.s32 v1, v3;
	s22 =	simm.s32 $0xD100  }
0xcc: {  	[tilespmem:s22], [sflag:$0x2] =	stream.indirect_vreg.gather [hbm4b:s6+s3], $0x80, v4, vm0, $0xb8;
	[tilespmem:$0x10100] =	vst v63  }
0xcd: {  	s22 =	simm.s32 $0xD900  }
0xce: {  	[tilespmem:s22], [sflag:$0x2] =	stream.indirect_vreg.gather [hbm4b:s7+s3], $0x80, v4, vm0, $0xb8;
	[tilespmem:$0x10100] =	vst v63  }
0xcf: {  	s22 =	simm.s32 $0xE100  }
0xd0: {  	[tilespmem:s22], [sflag:$0x2] =	stream.indirect_vreg.gather [hbm4b:s2+s3], $0x80, v3, vm0, $0xb8;
	[tilespmem:$0x10100] =	vst v63  }
0xd1: {  	s22 =	simm.s32 $0xE900  }
0xd2: {  	[tilespmem:s22], [sflag:$0x2] =	stream.indirect_vreg.gather [hbm4b:s5+s3], $0x80, v3, vm0, $0xb8;
	[tilespmem:$0x10100] =	vst v63  }
0xd3: {  	s22 =	simm.s32 $0xF100  }
0xd4: {  	[tilespmem:s22], [sflag:$0x2] =	stream.indirect_vreg.gather [hbm4b:s6+s3], $0x80, v3, vm0, $0xb8;
	[tilespmem:$0x10100] =	vst v63  }
0xd5: {  	s22 =	simm.s32 $0xF900  }
0xd6: {  	[tilespmem:s22], [sflag:$0x2] =	stream.indirect_vreg.gather [hbm4b:s7+s3], $0x80, v3, vm0, $0xb8;
	[tilespmem:$0x10100] =	vst v63  }
0xd7: {  	_ =	swait.ge [sflag:s18], $0x8000  }
0xd8: {  	[sflag:s18] =	ssyncset.done $0x0  }
0xd9: {  	s22 =	rddreg [dreg:$0x5];
	[sflag:s18] =	ssyncadd.s32 $0xFFFF8000  }
0xda: {  	[hbm4b:s22+s3] =	stream.linear.scatter [tilespmem:s26], [sflag:$0x3], $0x8000, $0x38;
	[tilespmem:$0x10100] =	vst v63  }
0xdb: {  	_ =	swait.ge [sflag:s19], $0x8000  }
0xdc: {  	[sflag:s19] =	ssyncset.done $0x0  }
0xdd: {  	[sflag:s19] =	ssyncadd.s32 $0xFFFF8000  }
0xde: {  	v3 =	vld [tilespmem:$0x80];
	_ =	sdelay $0x4  }
0xdf: {  	v60 =	vshll.u32 v3, $0x3  }
0xe0: {  	v3 =	vand.u32 $0x7, v3;
	v4 =	vand.u32 $0xFFFFFFC0, v60  }
0xe1: {  	v3 =	vor.u32 v3, v4  }
0xe2: {  	v4 =	vperm.xlane v3, v0;
	_ =	sdelay $0x1  }
0xe3: {  	v4 =	vadd.s32 v1, v4;
	_ =	sdelay $0x4  }
0xe4: {  	[tilespmem:s26], [sflag:$0x1] =	stream.indirect_vreg.gather [hbm4b:s2+s3], $0x80, v4, vm0, $0xb8;
	[tilespmem:$0x10100] =	vst v63  }
0xe5: {  	v3 =	vperm.xlane v3, v2  }
0xe6: {  	[tilespmem:s23], [sflag:$0x1] =	stream.indirect_vreg.gather [hbm4b:s5+s3], $0x80, v4, vm0, $0xb8;
	[tilespmem:$0x10100] =	vst v63  }
0xe7: {  	v3 =	vadd.s32 v1, v3  }
0xe8: {  	[tilespmem:s24], [sflag:$0x1] =	stream.indirect_vreg.gather [hbm4b:s6+s3], $0x80, v4, vm0, $0xb8;
	[tilespmem:$0x10100] =	vst v63  }
0xe9: {  	_ = 	snop  }
0xea: {  	[tilespmem:s25], [sflag:$0x1] =	stream.indirect_vreg.gather [hbm4b:s7+s3], $0x80, v4, vm0, $0xb8;
	[tilespmem:$0x10100] =	vst v63  }
0xeb: {  	_ = 	snop  }
0xec: {  	[tilespmem:s28], [sflag:$0x1] =	stream.indirect_vreg.gather [hbm4b:s2+s3], $0x80, v3, vm0, $0xb8;
	[tilespmem:$0x10100] =	vst v63  }
0xed: {  	_ = 	snop  }
0xee: {  	[tilespmem:s29], [sflag:$0x1] =	stream.indirect_vreg.gather [hbm4b:s5+s3], $0x80, v3, vm0, $0xb8;
	[tilespmem:$0x10100] =	vst v63  }
0xef: {  	_ = 	snop  }
0xf0: {  	[tilespmem:s30], [sflag:$0x1] =	stream.indirect_vreg.gather [hbm4b:s6+s3], $0x80, v3, vm0, $0xb8;
	[tilespmem:$0x10100] =	vst v63  }
0xf1: {  	_ = 	snop  }
0xf2: {  	[tilespmem:s31], [sflag:$0x1] =	stream.indirect_vreg.gather [hbm4b:s7+s3], $0x80, v3, vm0, $0xb8;
	[tilespmem:$0x10100] =	vst v63  }
0xf3: {  	v3 =	vld [tilespmem:$0x90];
	_ =	sdelay $0x4  }
0xf4: {  	v61 =	vshll.u32 v3, $0x3  }
0xf5: {  	v3 =	vand.u32 $0x7, v3;
	v4 =	vand.u32 $0xFFFFFFC0, v61  }
0xf6: {  	v3 =	vor.u32 v3, v4  }
0xf7: {  	v4 =	vperm.xlane v3, v0;
	_ =	sdelay $0x1  }
0xf8: {  	v4 =	vadd.s32 v1, v4;
	_ =	sdelay $0x4  }
0xf9: {  	[tilespmem:s1], [sflag:$0x1] =	stream.indirect_vreg.gather [hbm4b:s2+s3], $0x80, v4, vm0, $0xb8;
	[tilespmem:$0x10100] =	vst v63  }
0xfa: {  	v3 =	vperm.xlane v3, v2  }
0xfb: {  	[tilespmem:s10], [sflag:$0x1] =	stream.indirect_vreg.gather [hbm4b:s5+s3], $0x80, v4, vm0, $0xb8;
	[tilespmem:$0x10100] =	vst v63  }
0xfc: {  	v3 =	vadd.s32 v1, v3  }
0xfd: {  	[tilespmem:s4], [sflag:$0x1] =	stream.indirect_vreg.gather [hbm4b:s6+s3], $0x80, v4, vm0, $0xb8;
	[tilespmem:$0x10100] =	vst v63  }
0xfe: {  	_ = 	snop  }
0xff: {  	[tilespmem:s9], [sflag:$0x1] =	stream.indirect_vreg.gather [hbm4b:s7+s3], $0x80, v4, vm0, $0xb8;
	[tilespmem:$0x10100] =	vst v63  }
0x100: {  	_ = 	snop  }
0x101: {  	[tilespmem:s11], [sflag:$0x1] =	stream.indirect_vreg.gather [hbm4b:s2+s3], $0x80, v3, vm0, $0xb8;
	[tilespmem:$0x10100] =	vst v63  }
0x102: {  	_ = 	snop  }
0x103: {  	[tilespmem:s12], [sflag:$0x1] =	stream.indirect_vreg.gather [hbm4b:s5+s3], $0x80, v3, vm0, $0xb8;
	[tilespmem:$0x10100] =	vst v63  }
0x104: {  	_ = 	snop  }
0x105: {  	[tilespmem:s13], [sflag:$0x1] =	stream.indirect_vreg.gather [hbm4b:s6+s3], $0x80, v3, vm0, $0xb8;
	[tilespmem:$0x10100] =	vst v63  }
0x106: {  	_ = 	snop  }
0x107: {  	[tilespmem:s14], [sflag:$0x1] =	stream.indirect_vreg.gather [hbm4b:s7+s3], $0x80, v3, vm0, $0xb8;
	[tilespmem:$0x10100] =	vst v63  }
0x108: {  	_ =	swait.ge [sflag:s20], $0x8000  }
0x109: {  	[sflag:s20] =	ssyncset.done $0x0  }
0x10a: {  	s1 =	rddreg [dreg:$0x6];
	[sflag:s20] =	ssyncadd.s32 $0xFFFF8000  }
0x10b: {  	[hbm4b:s1+s3] =	stream.linear.scatter [tilespmem:s0], [sflag:$0x4], $0x8000, $0x38;
	[tilespmem:$0x10100] =	vst v63  }
0x10c: {  	_ =	swait.ge [sflag:s21], $0x8000  }
0x10d: {  	[sflag:s21] =	ssyncset.done $0x0  }
0x10e: {  	[sflag:s21] =	ssyncadd.s32 $0xFFFF8000  }
0x10f: {  	v3 =	vld [tilespmem:$0xA0];
	_ =	sdelay $0x4  }
0x110: {  	v62 =	vshll.u32 v3, $0x3  }
0x111: {  	v3 =	vand.u32 $0x7, v3;
	v4 =	vand.u32 $0xFFFFFFC0, v62  }
0x112: {  	v3 =	vor.u32 v3, v4  }
0x113: {  	v4 =	vperm.xlane v3, v0;
	_ =	sdelay $0x1  }
0x114: {  	v4 =	vadd.s32 v1, v4;
	_ =	sdelay $0x4  }
0x115: {  	[tilespmem:s0], [sflag:$0x2] =	stream.indirect_vreg.gather [hbm4b:s2+s3], $0x80, v4, vm0, $0xb8;
	[tilespmem:$0x10100] =	vst v63  }
0x116: {  	v3 =	vperm.xlane v3, v2  }
0x117: {  	[tilespmem:s15], [sflag:$0x2] =	stream.indirect_vreg.gather [hbm4b:s5+s3], $0x80, v4, vm0, $0xb8;
	[tilespmem:$0x10100] =	vst v63  }
0x118: {  	v3 =	vadd.s32 v1, v3  }
0x119: {  	[tilespmem:s16], [sflag:$0x2] =	stream.indirect_vreg.gather [hbm4b:s6+s3], $0x80, v4, vm0, $0xb8;
	[tilespmem:$0x10100] =	vst v63  }
0x11a: {  	_ = 	snop  }
0x11b: {  	[tilespmem:s17], [sflag:$0x2] =	stream.indirect_vreg.gather [hbm4b:s7+s3], $0x80, v4, vm0, $0xb8;
	[tilespmem:$0x10100] =	vst v63  }
0x11c: {  	s22 =	simm.s32 $0xA100  }
0x11d: {  	[tilespmem:s22], [sflag:$0x2] =	stream.indirect_vreg.gather [hbm4b:s2+s3], $0x80, v3, vm0, $0xb8;
	[tilespmem:$0x10100] =	vst v63  }
0x11e: {  	s22 =	simm.s32 $0xA900  }
0x11f: {  	[tilespmem:s22], [sflag:$0x2] =	stream.indirect_vreg.gather [hbm4b:s5+s3], $0x80, v3, vm0, $0xb8;
	[tilespmem:$0x10100] =	vst v63  }
0x120: {  	s22 =	simm.s32 $0xB100  }
0x121: {  	[tilespmem:s22], [sflag:$0x2] =	stream.indirect_vreg.gather [hbm4b:s6+s3], $0x80, v3, vm0, $0xb8;
	[tilespmem:$0x10100] =	vst v63  }
0x122: {  	s22 =	simm.s32 $0xB900  }
0x123: {  	[tilespmem:s22], [sflag:$0x2] =	stream.indirect_vreg.gather [hbm4b:s7+s3], $0x80, v3, vm0, $0xb8;
	[tilespmem:$0x10100] =	vst v63  }
0x124: {  	v3 =	vld [tilespmem:$0xB0];
	_ =	sdelay $0x4  }
0x125: {  	v63 =	vshll.u32 v3, $0x3  }
0x126: {  	v3 =	vand.u32 $0x7, v3;
	v4 =	vand.u32 $0xFFFFFFC0, v63  }
0x127: {  	v3 =	vor.u32 v3, v4  }
0x128: {  	v4 =	vperm.xlane v3, v0;
	_ =	sdelay $0x1  }
0x129: {  	v4 =	vadd.s32 v1, v4;
	_ =	sdelay $0x3  }
0x12a: {  	s22 =	simm.s32 $0xC100  }
0x12b: {  	[tilespmem:s22], [sflag:$0x2] =	stream.indirect_vreg.gather [hbm4b:s2+s3], $0x80, v4, vm0, $0xb8;
	[tilespmem:$0x10100] =	vst v63  }
0x12c: {  	v3 =	vperm.xlane v3, v2;
	s22 =	simm.s32 $0xC900  }
0x12d: {  	[tilespmem:s22], [sflag:$0x2] =	stream.indirect_vreg.gather [hbm4b:s5+s3], $0x80, v4, vm0, $0xb8;
	[tilespmem:$0x10100] =	vst v63  }
0x12e: {  	v3 =	vadd.s32 v1, v3;
	s22 =	simm.s32 $0xD100  }
0x12f: {  	[tilespmem:s22], [sflag:$0x2] =	stream.indirect_vreg.gather [hbm4b:s6+s3], $0x80, v4, vm0, $0xb8;
	[tilespmem:$0x10100] =	vst v63  }
0x130: {  	s22 =	simm.s32 $0xD900  }
0x131: {  	[tilespmem:s22], [sflag:$0x2] =	stream.indirect_vreg.gather [hbm4b:s7+s3], $0x80, v4, vm0, $0xb8;
	[tilespmem:$0x10100] =	vst v63  }
0x132: {  	s22 =	simm.s32 $0xE100  }
0x133: {  	[tilespmem:s22], [sflag:$0x2] =	stream.indirect_vreg.gather [hbm4b:s2+s3], $0x80, v3, vm0, $0xb8;
	[tilespmem:$0x10100] =	vst v63  }
0x134: {  	s22 =	simm.s32 $0xE900  }
0x135: {  	[tilespmem:s22], [sflag:$0x2] =	stream.indirect_vreg.gather [hbm4b:s5+s3], $0x80, v3, vm0, $0xb8;
	[tilespmem:$0x10100] =	vst v63  }
0x136: {  	s22 =	simm.s32 $0xF100  }
0x137: {  	[tilespmem:s22], [sflag:$0x2] =	stream.indirect_vreg.gather [hbm4b:s6+s3], $0x80, v3, vm0, $0xb8;
	[tilespmem:$0x10100] =	vst v63  }
0x138: {  	s22 =	simm.s32 $0xF900  }
0x139: {  	[tilespmem:s22], [sflag:$0x2] =	stream.indirect_vreg.gather [hbm4b:s7+s3], $0x80, v3, vm0, $0xb8;
	[tilespmem:$0x10100] =	vst v63  }
0x13a: {  	_ =	swait.ge [sflag:s18], $0x8000  }
0x13b: {  	[sflag:s18] =	ssyncset.done $0x0  }
0x13c: {  	s1 =	rddreg [dreg:$0x7];
	[sflag:s18] =	ssyncadd.s32 $0xFFFF8000  }
0x13d: {  	[hbm4b:s1+s3] =	stream.linear.scatter [tilespmem:s26], [sflag:$0x3], $0x8000, $0x38;
	[tilespmem:$0x10100] =	vst v63  }
0x13e: {  	_ =	swait.ge [sflag:s20], $0x8000  }
0x13f: {  	[sflag:s20] =	ssyncset.done $0x0  }
0x140: {  	s1 =	rddreg [dreg:$0x8];
	[sflag:s20] =	ssyncadd.s32 $0xFFFF8000  }
0x141: {  	[hbm4b:s1+s3] =	stream.linear.scatter [tilespmem:s0], [sflag:$0x4], $0x8000, $0x38;
	[tilespmem:$0x10100] =	vst v63  }
0x142: {  	p0 =	sne.s32 s8, $0x1;
	_ =	swait.ge [sflag:s19], $0x8000  }
.Ltmp0:
0x143: {  	[sflag:s19] =	ssyncset.done $0x0;
	(pc) =	sbr.rel @p0 .LBB2_1-.Ltmp0, $4  }
0x144: {  	[sflag:s19] =	ssyncadd.s32 $0xFFFF8000  }
0x145: {  	_ =	swait.ge [sflag:s21], $0x8000  }
0x146: {  	[sflag:s21] =	ssyncset.done $0x0  }
0x147: {  	s8 =	sadd.s32 $0xFFFFFFFF, s8;
	[sflag:s21] =	ssyncadd.s32 $0xFFFF8000  }
0x148: {  	_ =	sfence.sel $0x180000  }
0x149: {  	[bflag:$0x0] =	sbarrier.arrive $0xFFFF  }
0x14a: {  	_ =	strace $0x9000004A  }
0x14b: {  	s0 =	stileid.u32;
	[bflag:$0x2] =	sbarrier.arrive $0xFFFF  }
0x14c: {  	p0 =	sne.s32 s0, $0x0;
	s0 =	rddreg [dreg:$0x2]  }
0x14d: {  	s0 =	sadd.s32 @!p0 $0x100000, s0  }
0x14e: {  	[sflag:s0] =	ssyncadd.tile.s32 @!p0 $0x1;
	_ =	shalt  }
.Lfunc_end2:
_tile_overlayer_lowered:
.L_overlay_start_2:
0x14f: {  	(tag) =	ssettag $0x2  }
0x150: {  	s0 =	rddreg [dreg:$0x0];
	s2 =	stileid.u32  }
0x151: {  	s1 =	rddreg [dreg:$0x1];
	p0 =	sne.s32 s2, $0x0  }
0x152: {  	s3 =	rddreg [dreg:$0x2];
	[bflag:$0x3] =	sbarrier.arrive $0xFFFF;
	s2 =	simm.s32 @!p0 $0x1C05  }
0x153: {  	[timem:s3], [sflag:s2] =	dma.local @!p0 [hbm:s0], s1  }
0x154: {  	s0 =	simm.s32 @!p0 $0x5  }
0x155: {  	_ =	swait.ge @!p0 [sflag:s0], s1  }
0x156: {  	s1 =	ssub.s32 @!p0 $0x0, s1;
	[sflag:s0] =	ssyncset.done @!p0 $0x0  }
0x157: {  	[sflag:s0] =	ssyncadd.s32 @!p0 s1  }
0x158: {  	[bflag:$0x3] =	sbarrier.arrive $0xFFFF  }
0x159: {  	_ =	shalt  }

</sc_bundles>
